<compile_context>
chip_gen: v7x
topology: tpu7x:2x2x1
jax: 0.10.2.dev20260603
libtpu: 0.0.44.dev20260713+nightly
codegen_flags: <defaults>
</compile_context>

<pallas_src>
import functools
import jax
import jax.numpy as jnp
from jax import lax
from jax.experimental import pallas as pl
from jax.experimental.pallas import tpu as pltpu
from jax.experimental.pallas import tpu_sc as plsc

_BH = 256


def _tc_body(x_ref, t_ref, out_ref, acc_ref):
    nblk = pl.num_programs(0)
    i = pl.program_id(0)
    x = x_ref[0]
    blk = jnp.sum(x)

    @pl.when(i == 0)
    def _():
        acc_ref[0] = 0.0

    acc_ref[0] = acc_ref[0] + blk

    @pl.when(i == nblk - 1)
    def _():
        out_ref[0, 0] = acc_ref[0]


def _tc_stream(input, target):
    b, c, h, w = input.shape
    nblk = (b * h) // _BH
    blocks_per_b = h // _BH
    out = pl.pallas_call(
        _tc_body,
        grid=(nblk,),
        in_specs=[
            pl.BlockSpec((1, c, _BH, w), lambda i: (i // blocks_per_b, 0, i % blocks_per_b, 0)),
            pl.BlockSpec((1, _BH, w), lambda i: (i // blocks_per_b, i % blocks_per_b, 0)),
        ],
        out_specs=pl.BlockSpec((1, 1), lambda i: (0, 0), memory_space=pltpu.SMEM),
        out_shape=jax.ShapeDtypeStruct((1, 1), jnp.float32),
        scratch_shapes=[pltpu.SMEM((2,), jnp.float32)],
    )(input, target)
    return out[0, 0]


def _make_sc_stream(b, c, h, w):
    mesh = plsc.VectorSubcoreMesh(core_axis_name="c", subcore_axis_name="s")
    planes_per_w = 2

    @functools.partial(
        pl.kernel,
        mesh=mesh,
        out_type=jax.ShapeDtypeStruct((32, 16), jnp.float32),
        scratch_types=[
            pltpu.VMEM((64, 512), jnp.float32),
            pltpu.VMEM((64, 512), jnp.float32),
            pltpu.VMEM((16,), jnp.float32),
            pltpu.SemaphoreType.DMA,
        ],
    )
    def sc_stream(x_hbm, out_hbm, buf0, buf1, tokv, sem):
        wid = lax.axis_index("s") * 2 + lax.axis_index("c")
        copies = []
        for jp in range(planes_per_w):
            plane = wid * planes_per_w + jp
            bi = plane // c
            ci = plane % c
            for j in range(8):
                buf = buf0 if (jp * 8 + j) % 2 == 0 else buf1
                copies.append(
                    pltpu.async_copy(
                        x_hbm.at[bi, ci, pl.ds(j * 64, 64)], buf, sem
                    )
                )
        for cp in copies:
            cp.wait()
        tokv[...] = jnp.zeros((16,), jnp.float32)
        pltpu.sync_copy(tokv, out_hbm.at[wid])

    return sc_stream


def kernel(input, target):
    b, c, h, w = input.shape
    tok = _make_sc_stream(b, c, h, w)(input)
    res = _tc_stream(input, target)
    return res + 0.0 * tok[0, 0]

# --- scband reference (transcript-rebuilt; emitter-appended) ---
"""Pipeline reference for scband-ohem-cross-entropy-loss-62199716381343 (READ-ONLY COPY).

The authoritative reference and input builder live on the scoring server;
editing this copy changes nothing except your own understanding.
"""

import jax, jax.numpy as jnp
import numpy as np

IGNORE_INDEX = 255
THRESH = 0.7
MIN_KEPT = 10000


def setup_inputs(seed: int = 0) -> dict:
    key = jax.random.key(seed)
    k1, k2 = jax.random.split(key)
    x = jax.random.normal(k1, (8, 19, 512, 512), dtype=jnp.float32)
    t = jax.random.randint(k2, (8, 512, 512), 0, 19).astype(jnp.int32)
    return {"input": x, "target": t}


def reference(input, target):
    b, c = input.shape[0], input.shape[1]
    tgt = target.reshape(-1)
    N = tgt.shape[0]
    valid_mask = tgt != IGNORE_INDEX
    tgt0 = tgt * valid_mask.astype(tgt.dtype)
    num_valid = valid_mask.sum()

    prob = jax.nn.softmax(input, axis=1)
    prob = jnp.transpose(prob, (1, 0, 2, 3)).reshape(c, -1)
    prob = jnp.where(valid_mask[None, :], prob, 1.0)
    mask_prob = prob[tgt0, jnp.arange(N)]

    # OHEM threshold: k-th smallest kept probability (min_kept > 0 always here)
    sorted_mp = jnp.sort(mask_prob)
    kth = min(N, MIN_KEPT) - 1
    tv = sorted_mp[kth]
    threshold = jnp.where(tv > THRESH, tv, THRESH)
    kept_mask = mask_prob <= threshold
    # torch: masking applies only in the elif branch (min_kept <= num_valid and num_valid > 0)
    apply = (MIN_KEPT <= num_valid) & (num_valid > 0)
    kept_mask = jnp.where(apply, kept_mask, True)

    tgt1 = tgt0 * kept_mask.astype(tgt0.dtype)
    valid2 = valid_mask & kept_mask
    tgt_final = jnp.where(valid2, tgt1, IGNORE_INDEX)

    # CrossEntropyLoss(reduction='mean', ignore_index=255)
    logp = jax.nn.log_softmax(input, axis=1)
    lp = jnp.transpose(logp, (1, 0, 2, 3)).reshape(c, -1)
    is_valid = tgt_final != IGNORE_INDEX
    safe_t = jnp.where(is_valid, tgt_final, 0)
    nll = -lp[safe_t, jnp.arange(N)]
    cnt = is_valid.sum()
    loss = jnp.sum(nll * is_valid.astype(nll.dtype)) / jnp.maximum(cnt, 1).astype(nll.dtype)
    return loss

if __name__ == "__main__":
    import jax
    _d = setup_inputs()
    print(jax.jit(kernel)(*tuple(_d.values())))

</pallas_src>

<mosaic_0001>
#map = affine_map<(d0, d1) -> (0, 0, 0, 0)>
#map1 = affine_map<(d0, d1) -> (0, 0)>
module attributes {stable_mosaic.version = 14 : i64} {
  func.func @sc_stream(%arg0: i32, %arg1: i32, %arg2: memref<8x19x512x512xf32, #tpu.memory_space<hbm>>, %arg3: memref<32x16xf32, #tpu.memory_space<hbm>>, %arg4: memref<64x512xf32, #tpu.memory_space<vmem>>, %arg5: memref<64x512xf32, #tpu.memory_space<vmem>>, %arg6: memref<16xf32, #tpu.memory_space<vmem>>, %arg7: memref<!tpu.dma_semaphore, #tpu.memory_space<semaphore_mem>>) attributes {dimension_semantics = [#tpu.dimension_semantics<core_parallel>, #tpu.dimension_semantics<subcore_parallel>], iteration_bounds = array<i64: 2, 16>, scalar_prefetch = 0 : i64, scratch_operands = 4 : i64, tpu.core_type = #tpu.core_type<sc_vector_subcore>, window_params = [{transform_indices = #map}, {transform_indices = #map1}]} {
    %mul3A = arith.constant 2 : i32
    %mul3A_0 = arith.muli %arg1, %mul3A : i32
    %add3A = arith.addi %mul3A_0, %arg0 : i32
    %mul3A_1 = arith.constant 2 : i32
    %mul3A_2 = arith.muli %add3A, %mul3A_1 : i32
    %add3A_3 = arith.constant 0 : i32
    %add3A_4 = arith.addi %mul3A_2, %add3A_3 : i32
    %jit3A = arith.constant 19 : i32
    %div3A = arith.divsi %add3A_4, %jit3A : i32
    %sign3A = arith.constant 0 : i32
    %sign3A_5 = arith.cmpi sgt, %add3A_4, %sign3A : i32
    %sign3A_6 = arith.extui %sign3A_5 : i1 to i32
    %sign3A_7 = arith.constant 0 : i32
    %sign3A_8 = arith.cmpi slt, %add3A_4, %sign3A_7 : i32
    %sign3A_9 = arith.extui %sign3A_8 : i1 to i32
    %sign3A_10 = arith.subi %sign3A_6, %sign3A_9 : i32
    %sign3A_11 = arith.constant 0 : i32
    %sign3A_12 = arith.cmpi sgt, %jit3A, %sign3A_11 : i32
    %sign3A_13 = arith.extui %sign3A_12 : i1 to i32
    %sign3A_14 = arith.constant 0 : i32
    %sign3A_15 = arith.cmpi slt, %jit3A, %sign3A_14 : i32
    %sign3A_16 = arith.extui %sign3A_15 : i1 to i32
    %sign3A_17 = arith.subi %sign3A_13, %sign3A_16 : i32
    %ne3A = arith.cmpi ne, %sign3A_10, %sign3A_17 : i32
    %rem3A = arith.remsi %add3A_4, %jit3A : i32
    %ne3A_18 = arith.constant 0 : i32
    %ne3A_19 = arith.cmpi ne, %rem3A, %ne3A_18 : i32
    %and3A = arith.andi %ne3A, %ne3A_19 : i1
    %sub3A = arith.constant 1 : i32
    %sub3A_20 = arith.subi %div3A, %sub3A : i32
    %select_n3A = arith.select %and3A, %sub3A_20, %div3A : i32
    %jit3A_21 = arith.constant 19 : i32
    %eq3A = arith.constant 0 : i32
    %eq3A_22 = arith.cmpi eq, %jit3A_21, %eq3A : i32
    %jit3A_23 = arith.constant 1 : i32
    %select_n3A_24 = arith.select %eq3A_22, %jit3A_23, %jit3A_21 : i32
    %rem3A_25 = arith.remsi %add3A_4, %select_n3A_24 : i32
    %ne3A_26 = arith.constant 0 : i32
    %ne3A_27 = arith.cmpi ne, %rem3A_25, %ne3A_26 : i32
    %lt3A = arith.constant 0 : i32
    %lt3A_28 = arith.cmpi slt, %rem3A_25, %lt3A : i32
    %lt3A_29 = arith.constant 0 : i32
    %lt3A_30 = arith.cmpi slt, %select_n3A_24, %lt3A_29 : i32
    %ne3A_31 = arith.xori %lt3A_28, %lt3A_30 : i1
    %and3A_32 = arith.andi %ne3A_31, %ne3A_27 : i1
    %add3A_33 = arith.addi %rem3A_25, %select_n3A_24 : i32
    %select_n3A_34 = arith.select %and3A_32, %add3A_33, %rem3A_25 : i32
    %dma_start3A = arith.constant 0 : i32
    %dma_start3A_35 = arith.constant 0 : i32
    %dma_start3A_36 = tpu.memref_slice %arg2[%select_n3A, %select_n3A_34, %dma_start3A, %dma_start3A_35] : memref<8x19x512x512xf32, #tpu.memory_space<hbm>> -> memref<1x1x64x512xf32, #tpu.memory_space<hbm>>
    %dma_start3A_37 = tpu.memref_squeeze %dma_start3A_36 : memref<1x1x64x512xf32, #tpu.memory_space<hbm>> -> memref<64x512xf32, #tpu.memory_space<hbm>>
    %dma_start3A_38 = arith.constant 0 : i32
    %dma_start3A_39 = arith.constant 0 : i32
    %dma_start3A_40 = tpu.memref_slice %arg2[%select_n3A, %select_n3A_34, %dma_start3A_38, %dma_start3A_39] : memref<8x19x512x512xf32, #tpu.memory_space<hbm>> -> memref<1x1x64x512xf32, #tpu.memory_space<hbm>>
    %dma_start3A_41 = tpu.memref_squeeze %dma_start3A_40 : memref<1x1x64x512xf32, #tpu.memory_space<hbm>> -> memref<64x512xf32, #tpu.memory_space<hbm>>
    tpu.enqueue_dma source(%dma_start3A_41 : memref<64x512xf32, #tpu.memory_space<hbm>>) target(%arg4 : memref<64x512xf32, #tpu.memory_space<vmem>>) target_semaphore(%arg7 : memref<!tpu.dma_semaphore, #tpu.memory_space<semaphore_mem>>)
    %dma_start3A_42 = arith.constant 64 : i32
    %dma_start3A_43 = arith.constant 0 : i32
    %dma_start3A_44 = tpu.memref_slice %arg2[%select_n3A, %select_n3A_34, %dma_start3A_42, %dma_start3A_43] : memref<8x19x512x512xf32, #tpu.memory_space<hbm>> -> memref<1x1x64x512xf32, #tpu.memory_space<hbm>>
    %dma_start3A_45 = tpu.memref_squeeze %dma_start3A_44 : memref<1x1x64x512xf32, #tpu.memory_space<hbm>> -> memref<64x512xf32, #tpu.memory_space<hbm>>
    %dma_start3A_46 = arith.constant 64 : i32
    %dma_start3A_47 = arith.constant 0 : i32
    %dma_start3A_48 = tpu.memref_slice %arg2[%select_n3A, %select_n3A_34, %dma_start3A_46, %dma_start3A_47] : memref<8x19x512x512xf32, #tpu.memory_space<hbm>> -> memref<1x1x64x512xf32, #tpu.memory_space<hbm>>
    %dma_start3A_49 = tpu.memref_squeeze %dma_start3A_48 : memref<1x1x64x512xf32, #tpu.memory_space<hbm>> -> memref<64x512xf32, #tpu.memory_space<hbm>>
    tpu.enqueue_dma source(%dma_start3A_49 : memref<64x512xf32, #tpu.memory_space<hbm>>) target(%arg5 : memref<64x512xf32, #tpu.memory_space<vmem>>) target_semaphore(%arg7 : memref<!tpu.dma_semaphore, #tpu.memory_space<semaphore_mem>>)
    %dma_start3A_50 = arith.constant 128 : i32
    %dma_start3A_51 = arith.constant 0 : i32
    %dma_start3A_52 = tpu.memref_slice %arg2[%select_n3A, %select_n3A_34, %dma_start3A_50, %dma_start3A_51] : memref<8x19x512x512xf32, #tpu.memory_space<hbm>> -> memref<1x1x64x512xf32, #tpu.memory_space<hbm>>
    %dma_start3A_53 = tpu.memref_squeeze %dma_start3A_52 : memref<1x1x64x512xf32, #tpu.memory_space<hbm>> -> memref<64x512xf32, #tpu.memory_space<hbm>>
    %dma_start3A_54 = arith.constant 128 : i32
    %dma_start3A_55 = arith.constant 0 : i32
    %dma_start3A_56 = tpu.memref_slice %arg2[%select_n3A, %select_n3A_34, %dma_start3A_54, %dma_start3A_55] : memref<8x19x512x512xf32, #tpu.memory_space<hbm>> -> memref<1x1x64x512xf32, #tpu.memory_space<hbm>>
    %dma_start3A_57 = tpu.memref_squeeze %dma_start3A_56 : memref<1x1x64x512xf32, #tpu.memory_space<hbm>> -> memref<64x512xf32, #tpu.memory_space<hbm>>
    tpu.enqueue_dma source(%dma_start3A_57 : memref<64x512xf32, #tpu.memory_space<hbm>>) target(%arg4 : memref<64x512xf32, #tpu.memory_space<vmem>>) target_semaphore(%arg7 : memref<!tpu.dma_semaphore, #tpu.memory_space<semaphore_mem>>)
    %dma_start3A_58 = arith.constant 192 : i32
    %dma_start3A_59 = arith.constant 0 : i32
    %dma_start3A_60 = tpu.memref_slice %arg2[%select_n3A, %select_n3A_34, %dma_start3A_58, %dma_start3A_59] : memref<8x19x512x512xf32, #tpu.memory_space<hbm>> -> memref<1x1x64x512xf32, #tpu.memory_space<hbm>>
    %dma_start3A_61 = tpu.memref_squeeze %dma_start3A_60 : memref<1x1x64x512xf32, #tpu.memory_space<hbm>> -> memref<64x512xf32, #tpu.memory_space<hbm>>
    %dma_start3A_62 = arith.constant 192 : i32
    %dma_start3A_63 = arith.constant 0 : i32
    %dma_start3A_64 = tpu.memref_slice %arg2[%select_n3A, %select_n3A_34, %dma_start3A_62, %dma_start3A_63] : memref<8x19x512x512xf32, #tpu.memory_space<hbm>> -> memref<1x1x64x512xf32, #tpu.memory_space<hbm>>
    %dma_start3A_65 = tpu.memref_squeeze %dma_start3A_64 : memref<1x1x64x512xf32, #tpu.memory_space<hbm>> -> memref<64x512xf32, #tpu.memory_space<hbm>>
    tpu.enqueue_dma source(%dma_start3A_65 : memref<64x512xf32, #tpu.memory_space<hbm>>) target(%arg5 : memref<64x512xf32, #tpu.memory_space<vmem>>) target_semaphore(%arg7 : memref<!tpu.dma_semaphore, #tpu.memory_space<semaphore_mem>>)
    %dma_start3A_66 = arith.constant 256 : i32
    %dma_start3A_67 = arith.constant 0 : i32
    %dma_start3A_68 = tpu.memref_slice %arg2[%select_n3A, %select_n3A_34, %dma_start3A_66, %dma_start3A_67] : memref<8x19x512x512xf32, #tpu.memory_space<hbm>> -> memref<1x1x64x512xf32, #tpu.memory_space<hbm>>
    %dma_start3A_69 = tpu.memref_squeeze %dma_start3A_68 : memref<1x1x64x512xf32, #tpu.memory_space<hbm>> -> memref<64x512xf32, #tpu.memory_space<hbm>>
    %dma_start3A_70 = arith.constant 256 : i32
    %dma_start3A_71 = arith.constant 0 : i32
    %dma_start3A_72 = tpu.memref_slice %arg2[%select_n3A, %select_n3A_34, %dma_start3A_70, %dma_start3A_71] : memref<8x19x512x512xf32, #tpu.memory_space<hbm>> -> memref<1x1x64x512xf32, #tpu.memory_space<hbm>>
    %dma_start3A_73 = tpu.memref_squeeze %dma_start3A_72 : memref<1x1x64x512xf32, #tpu.memory_space<hbm>> -> memref<64x512xf32, #tpu.memory_space<hbm>>
    tpu.enqueue_dma source(%dma_start3A_73 : memref<64x512xf32, #tpu.memory_space<hbm>>) target(%arg4 : memref<64x512xf32, #tpu.memory_space<vmem>>) target_semaphore(%arg7 : memref<!tpu.dma_semaphore, #tpu.memory_space<semaphore_mem>>)
    %dma_start3A_74 = arith.constant 320 : i32
    %dma_start3A_75 = arith.constant 0 : i32
    %dma_start3A_76 = tpu.memref_slice %arg2[%select_n3A, %select_n3A_34, %dma_start3A_74, %dma_start3A_75] : memref<8x19x512x512xf32, #tpu.memory_space<hbm>> -> memref<1x1x64x512xf32, #tpu.memory_space<hbm>>
    %dma_start3A_77 = tpu.memref_squeeze %dma_start3A_76 : memref<1x1x64x512xf32, #tpu.memory_space<hbm>> -> memref<64x512xf32, #tpu.memory_space<hbm>>
    %dma_start3A_78 = arith.constant 320 : i32
    %dma_start3A_79 = arith.constant 0 : i32
    %dma_start3A_80 = tpu.memref_slice %arg2[%select_n3A, %select_n3A_34, %dma_start3A_78, %dma_start3A_79] : memref<8x19x512x512xf32, #tpu.memory_space<hbm>> -> memref<1x1x64x512xf32, #tpu.memory_space<hbm>>
    %dma_start3A_81 = tpu.memref_squeeze %dma_start3A_80 : memref<1x1x64x512xf32, #tpu.memory_space<hbm>> -> memref<64x512xf32, #tpu.memory_space<hbm>>
    tpu.enqueue_dma source(%dma_start3A_81 : memref<64x512xf32, #tpu.memory_space<hbm>>) target(%arg5 : memref<64x512xf32, #tpu.memory_space<vmem>>) target_semaphore(%arg7 : memref<!tpu.dma_semaphore, #tpu.memory_space<semaphore_mem>>)
    %dma_start3A_82 = arith.constant 384 : i32
    %dma_start3A_83 = arith.constant 0 : i32
    %dma_start3A_84 = tpu.memref_slice %arg2[%select_n3A, %select_n3A_34, %dma_start3A_82, %dma_start3A_83] : memref<8x19x512x512xf32, #tpu.memory_space<hbm>> -> memref<1x1x64x512xf32, #tpu.memory_space<hbm>>
    %dma_start3A_85 = tpu.memref_squeeze %dma_start3A_84 : memref<1x1x64x512xf32, #tpu.memory_space<hbm>> -> memref<64x512xf32, #tpu.memory_space<hbm>>
    %dma_start3A_86 = arith.constant 384 : i32
    %dma_start3A_87 = arith.constant 0 : i32
    %dma_start3A_88 = tpu.memref_slice %arg2[%select_n3A, %select_n3A_34, %dma_start3A_86, %dma_start3A_87] : memref<8x19x512x512xf32, #tpu.memory_space<hbm>> -> memref<1x1x64x512xf32, #tpu.memory_space<hbm>>
    %dma_start3A_89 = tpu.memref_squeeze %dma_start3A_88 : memref<1x1x64x512xf32, #tpu.memory_space<hbm>> -> memref<64x512xf32, #tpu.memory_space<hbm>>
    tpu.enqueue_dma source(%dma_start3A_89 : memref<64x512xf32, #tpu.memory_space<hbm>>) target(%arg4 : memref<64x512xf32, #tpu.memory_space<vmem>>) target_semaphore(%arg7 : memref<!tpu.dma_semaphore, #tpu.memory_space<semaphore_mem>>)
    %dma_start3A_90 = arith.constant 448 : i32
    %dma_start3A_91 = arith.constant 0 : i32
    %dma_start3A_92 = tpu.memref_slice %arg2[%select_n3A, %select_n3A_34, %dma_start3A_90, %dma_start3A_91] : memref<8x19x512x512xf32, #tpu.memory_space<hbm>> -> memref<1x1x64x512xf32, #tpu.memory_space<hbm>>
    %dma_start3A_93 = tpu.memref_squeeze %dma_start3A_92 : memref<1x1x64x512xf32, #tpu.memory_space<hbm>> -> memref<64x512xf32, #tpu.memory_space<hbm>>
    %dma_start3A_94 = arith.constant 448 : i32
    %dma_start3A_95 = arith.constant 0 : i32
    %dma_start3A_96 = tpu.memref_slice %arg2[%select_n3A, %select_n3A_34, %dma_start3A_94, %dma_start3A_95] : memref<8x19x512x512xf32, #tpu.memory_space<hbm>> -> memref<1x1x64x512xf32, #tpu.memory_space<hbm>>
    %dma_start3A_97 = tpu.memref_squeeze %dma_start3A_96 : memref<1x1x64x512xf32, #tpu.memory_space<hbm>> -> memref<64x512xf32, #tpu.memory_space<hbm>>
    tpu.enqueue_dma source(%dma_start3A_97 : memref<64x512xf32, #tpu.memory_space<hbm>>) target(%arg5 : memref<64x512xf32, #tpu.memory_space<vmem>>) target_semaphore(%arg7 : memref<!tpu.dma_semaphore, #tpu.memory_space<semaphore_mem>>)
    %mul3A_98 = arith.constant 2 : i32
    %mul3A_99 = arith.muli %add3A, %mul3A_98 : i32
    %add3A_100 = arith.constant 1 : i32
    %add3A_101 = arith.addi %mul3A_99, %add3A_100 : i32
    %jit3A_102 = arith.constant 19 : i32
    %div3A_103 = arith.divsi %add3A_101, %jit3A_102 : i32
    %sign3A_104 = arith.constant 0 : i32
    %sign3A_105 = arith.cmpi sgt, %add3A_101, %sign3A_104 : i32
    %sign3A_106 = arith.extui %sign3A_105 : i1 to i32
    %sign3A_107 = arith.constant 0 : i32
    %sign3A_108 = arith.cmpi slt, %add3A_101, %sign3A_107 : i32
    %sign3A_109 = arith.extui %sign3A_108 : i1 to i32
    %sign3A_110 = arith.subi %sign3A_106, %sign3A_109 : i32
    %sign3A_111 = arith.constant 0 : i32
    %sign3A_112 = arith.cmpi sgt, %jit3A_102, %sign3A_111 : i32
    %sign3A_113 = arith.extui %sign3A_112 : i1 to i32
    %sign3A_114 = arith.constant 0 : i32
    %sign3A_115 = arith.cmpi slt, %jit3A_102, %sign3A_114 : i32
    %sign3A_116 = arith.extui %sign3A_115 : i1 to i32
    %sign3A_117 = arith.subi %sign3A_113, %sign3A_116 : i32
    %ne3A_118 = arith.cmpi ne, %sign3A_110, %sign3A_117 : i32
    %rem3A_119 = arith.remsi %add3A_101, %jit3A_102 : i32
    %ne3A_120 = arith.constant 0 : i32
    %ne3A_121 = arith.cmpi ne, %rem3A_119, %ne3A_120 : i32
    %and3A_122 = arith.andi %ne3A_118, %ne3A_121 : i1
    %sub3A_123 = arith.constant 1 : i32
    %sub3A_124 = arith.subi %div3A_103, %sub3A_123 : i32
    %select_n3A_125 = arith.select %and3A_122, %sub3A_124, %div3A_103 : i32
    %jit3A_126 = arith.constant 19 : i32
    %eq3A_127 = arith.constant 0 : i32
    %eq3A_128 = arith.cmpi eq, %jit3A_126, %eq3A_127 : i32
    %jit3A_129 = arith.constant 1 : i32
    %select_n3A_130 = arith.select %eq3A_128, %jit3A_129, %jit3A_126 : i32
    %rem3A_131 = arith.remsi %add3A_101, %select_n3A_130 : i32
    %ne3A_132 = arith.constant 0 : i32
    %ne3A_133 = arith.cmpi ne, %rem3A_131, %ne3A_132 : i32
    %lt3A_134 = arith.constant 0 : i32
    %lt3A_135 = arith.cmpi slt, %rem3A_131, %lt3A_134 : i32
    %lt3A_136 = arith.constant 0 : i32
    %lt3A_137 = arith.cmpi slt, %select_n3A_130, %lt3A_136 : i32
    %ne3A_138 = arith.xori %lt3A_135, %lt3A_137 : i1
    %and3A_139 = arith.andi %ne3A_138, %ne3A_133 : i1
    %add3A_140 = arith.addi %rem3A_131, %select_n3A_130 : i32
    %select_n3A_141 = arith.select %and3A_139, %add3A_140, %rem3A_131 : i32
    %dma_start3A_142 = arith.constant 0 : i32
    %dma_start3A_143 = arith.constant 0 : i32
    %dma_start3A_144 = tpu.memref_slice %arg2[%select_n3A_125, %select_n3A_141, %dma_start3A_142, %dma_start3A_143] : memref<8x19x512x512xf32, #tpu.memory_space<hbm>> -> memref<1x1x64x512xf32, #tpu.memory_space<hbm>>
    %dma_start3A_145 = tpu.memref_squeeze %dma_start3A_144 : memref<1x1x64x512xf32, #tpu.memory_space<hbm>> -> memref<64x512xf32, #tpu.memory_space<hbm>>
    %dma_start3A_146 = arith.constant 0 : i32
    %dma_start3A_147 = arith.constant 0 : i32
    %dma_start3A_148 = tpu.memref_slice %arg2[%select_n3A_125, %select_n3A_141, %dma_start3A_146, %dma_start3A_147] : memref<8x19x512x512xf32, #tpu.memory_space<hbm>> -> memref<1x1x64x512xf32, #tpu.memory_space<hbm>>
    %dma_start3A_149 = tpu.memref_squeeze %dma_start3A_148 : memref<1x1x64x512xf32, #tpu.memory_space<hbm>> -> memref<64x512xf32, #tpu.memory_space<hbm>>
    tpu.enqueue_dma source(%dma_start3A_149 : memref<64x512xf32, #tpu.memory_space<hbm>>) target(%arg4 : memref<64x512xf32, #tpu.memory_space<vmem>>) target_semaphore(%arg7 : memref<!tpu.dma_semaphore, #tpu.memory_space<semaphore_mem>>)
    %dma_start3A_150 = arith.constant 64 : i32
    %dma_start3A_151 = arith.constant 0 : i32
    %dma_start3A_152 = tpu.memref_slice %arg2[%select_n3A_125, %select_n3A_141, %dma_start3A_150, %dma_start3A_151] : memref<8x19x512x512xf32, #tpu.memory_space<hbm>> -> memref<1x1x64x512xf32, #tpu.memory_space<hbm>>
    %dma_start3A_153 = tpu.memref_squeeze %dma_start3A_152 : memref<1x1x64x512xf32, #tpu.memory_space<hbm>> -> memref<64x512xf32, #tpu.memory_space<hbm>>
    %dma_start3A_154 = arith.constant 64 : i32
    %dma_start3A_155 = arith.constant 0 : i32
    %dma_start3A_156 = tpu.memref_slice %arg2[%select_n3A_125, %select_n3A_141, %dma_start3A_154, %dma_start3A_155] : memref<8x19x512x512xf32, #tpu.memory_space<hbm>> -> memref<1x1x64x512xf32, #tpu.memory_space<hbm>>
    %dma_start3A_157 = tpu.memref_squeeze %dma_start3A_156 : memref<1x1x64x512xf32, #tpu.memory_space<hbm>> -> memref<64x512xf32, #tpu.memory_space<hbm>>
    tpu.enqueue_dma source(%dma_start3A_157 : memref<64x512xf32, #tpu.memory_space<hbm>>) target(%arg5 : memref<64x512xf32, #tpu.memory_space<vmem>>) target_semaphore(%arg7 : memref<!tpu.dma_semaphore, #tpu.memory_space<semaphore_mem>>)
    %dma_start3A_158 = arith.constant 128 : i32
    %dma_start3A_159 = arith.constant 0 : i32
    %dma_start3A_160 = tpu.memref_slice %arg2[%select_n3A_125, %select_n3A_141, %dma_start3A_158, %dma_start3A_159] : memref<8x19x512x512xf32, #tpu.memory_space<hbm>> -> memref<1x1x64x512xf32, #tpu.memory_space<hbm>>
    %dma_start3A_161 = tpu.memref_squeeze %dma_start3A_160 : memref<1x1x64x512xf32, #tpu.memory_space<hbm>> -> memref<64x512xf32, #tpu.memory_space<hbm>>
    %dma_start3A_162 = arith.constant 128 : i32
    %dma_start3A_163 = arith.constant 0 : i32
    %dma_start3A_164 = tpu.memref_slice %arg2[%select_n3A_125, %select_n3A_141, %dma_start3A_162, %dma_start3A_163] : memref<8x19x512x512xf32, #tpu.memory_space<hbm>> -> memref<1x1x64x512xf32, #tpu.memory_space<hbm>>
    %dma_start3A_165 = tpu.memref_squeeze %dma_start3A_164 : memref<1x1x64x512xf32, #tpu.memory_space<hbm>> -> memref<64x512xf32, #tpu.memory_space<hbm>>
    tpu.enqueue_dma source(%dma_start3A_165 : memref<64x512xf32, #tpu.memory_space<hbm>>) target(%arg4 : memref<64x512xf32, #tpu.memory_space<vmem>>) target_semaphore(%arg7 : memref<!tpu.dma_semaphore, #tpu.memory_space<semaphore_mem>>)
    %dma_start3A_166 = arith.constant 192 : i32
    %dma_start3A_167 = arith.constant 0 : i32
    %dma_start3A_168 = tpu.memref_slice %arg2[%select_n3A_125, %select_n3A_141, %dma_start3A_166, %dma_start3A_167] : memref<8x19x512x512xf32, #tpu.memory_space<hbm>> -> memref<1x1x64x512xf32, #tpu.memory_space<hbm>>
    %dma_start3A_169 = tpu.memref_squeeze %dma_start3A_168 : memref<1x1x64x512xf32, #tpu.memory_space<hbm>> -> memref<64x512xf32, #tpu.memory_space<hbm>>
    %dma_start3A_170 = arith.constant 192 : i32
    %dma_start3A_171 = arith.constant 0 : i32
    %dma_start3A_172 = tpu.memref_slice %arg2[%select_n3A_125, %select_n3A_141, %dma_start3A_170, %dma_start3A_171] : memref<8x19x512x512xf32, #tpu.memory_space<hbm>> -> memref<1x1x64x512xf32, #tpu.memory_space<hbm>>
    %dma_start3A_173 = tpu.memref_squeeze %dma_start3A_172 : memref<1x1x64x512xf32, #tpu.memory_space<hbm>> -> memref<64x512xf32, #tpu.memory_space<hbm>>
    tpu.enqueue_dma source(%dma_start3A_173 : memref<64x512xf32, #tpu.memory_space<hbm>>) target(%arg5 : memref<64x512xf32, #tpu.memory_space<vmem>>) target_semaphore(%arg7 : memref<!tpu.dma_semaphore, #tpu.memory_space<semaphore_mem>>)
    %dma_start3A_174 = arith.constant 256 : i32
    %dma_start3A_175 = arith.constant 0 : i32
    %dma_start3A_176 = tpu.memref_slice %arg2[%select_n3A_125, %select_n3A_141, %dma_start3A_174, %dma_start3A_175] : memref<8x19x512x512xf32, #tpu.memory_space<hbm>> -> memref<1x1x64x512xf32, #tpu.memory_space<hbm>>
    %dma_start3A_177 = tpu.memref_squeeze %dma_start3A_176 : memref<1x1x64x512xf32, #tpu.memory_space<hbm>> -> memref<64x512xf32, #tpu.memory_space<hbm>>
    %dma_start3A_178 = arith.constant 256 : i32
    %dma_start3A_179 = arith.constant 0 : i32
    %dma_start3A_180 = tpu.memref_slice %arg2[%select_n3A_125, %select_n3A_141, %dma_start3A_178, %dma_start3A_179] : memref<8x19x512x512xf32, #tpu.memory_space<hbm>> -> memref<1x1x64x512xf32, #tpu.memory_space<hbm>>
    %dma_start3A_181 = tpu.memref_squeeze %dma_start3A_180 : memref<1x1x64x512xf32, #tpu.memory_space<hbm>> -> memref<64x512xf32, #tpu.memory_space<hbm>>
    tpu.enqueue_dma source(%dma_start3A_181 : memref<64x512xf32, #tpu.memory_space<hbm>>) target(%arg4 : memref<64x512xf32, #tpu.memory_space<vmem>>) target_semaphore(%arg7 : memref<!tpu.dma_semaphore, #tpu.memory_space<semaphore_mem>>)
    %dma_start3A_182 = arith.constant 320 : i32
    %dma_start3A_183 = arith.constant 0 : i32
    %dma_start3A_184 = tpu.memref_slice %arg2[%select_n3A_125, %select_n3A_141, %dma_start3A_182, %dma_start3A_183] : memref<8x19x512x512xf32, #tpu.memory_space<hbm>> -> memref<1x1x64x512xf32, #tpu.memory_space<hbm>>
    %dma_start3A_185 = tpu.memref_squeeze %dma_start3A_184 : memref<1x1x64x512xf32, #tpu.memory_space<hbm>> -> memref<64x512xf32, #tpu.memory_space<hbm>>
    %dma_start3A_186 = arith.constant 320 : i32
    %dma_start3A_187 = arith.constant 0 : i32
    %dma_start3A_188 = tpu.memref_slice %arg2[%select_n3A_125, %select_n3A_141, %dma_start3A_186, %dma_start3A_187] : memref<8x19x512x512xf32, #tpu.memory_space<hbm>> -> memref<1x1x64x512xf32, #tpu.memory_space<hbm>>
    %dma_start3A_189 = tpu.memref_squeeze %dma_start3A_188 : memref<1x1x64x512xf32, #tpu.memory_space<hbm>> -> memref<64x512xf32, #tpu.memory_space<hbm>>
    tpu.enqueue_dma source(%dma_start3A_189 : memref<64x512xf32, #tpu.memory_space<hbm>>) target(%arg5 : memref<64x512xf32, #tpu.memory_space<vmem>>) target_semaphore(%arg7 : memref<!tpu.dma_semaphore, #tpu.memory_space<semaphore_mem>>)
    %dma_start3A_190 = arith.constant 384 : i32
    %dma_start3A_191 = arith.constant 0 : i32
    %dma_start3A_192 = tpu.memref_slice %arg2[%select_n3A_125, %select_n3A_141, %dma_start3A_190, %dma_start3A_191] : memref<8x19x512x512xf32, #tpu.memory_space<hbm>> -> memref<1x1x64x512xf32, #tpu.memory_space<hbm>>
    %dma_start3A_193 = tpu.memref_squeeze %dma_start3A_192 : memref<1x1x64x512xf32, #tpu.memory_space<hbm>> -> memref<64x512xf32, #tpu.memory_space<hbm>>
    %dma_start3A_194 = arith.constant 384 : i32
    %dma_start3A_195 = arith.constant 0 : i32
    %dma_start3A_196 = tpu.memref_slice %arg2[%select_n3A_125, %select_n3A_141, %dma_start3A_194, %dma_start3A_195] : memref<8x19x512x512xf32, #tpu.memory_space<hbm>> -> memref<1x1x64x512xf32, #tpu.memory_space<hbm>>
    %dma_start3A_197 = tpu.memref_squeeze %dma_start3A_196 : memref<1x1x64x512xf32, #tpu.memory_space<hbm>> -> memref<64x512xf32, #tpu.memory_space<hbm>>
    tpu.enqueue_dma source(%dma_start3A_197 : memref<64x512xf32, #tpu.memory_space<hbm>>) target(%arg4 : memref<64x512xf32, #tpu.memory_space<vmem>>) target_semaphore(%arg7 : memref<!tpu.dma_semaphore, #tpu.memory_space<semaphore_mem>>)
    %dma_start3A_198 = arith.constant 448 : i32
    %dma_start3A_199 = arith.constant 0 : i32
    %dma_start3A_200 = tpu.memref_slice %arg2[%select_n3A_125, %select_n3A_141, %dma_start3A_198, %dma_start3A_199] : memref<8x19x512x512xf32, #tpu.memory_space<hbm>> -> memref<1x1x64x512xf32, #tpu.memory_space<hbm>>
    %dma_start3A_201 = tpu.memref_squeeze %dma_start3A_200 : memref<1x1x64x512xf32, #tpu.memory_space<hbm>> -> memref<64x512xf32, #tpu.memory_space<hbm>>
    %dma_start3A_202 = arith.constant 448 : i32
    %dma_start3A_203 = arith.constant 0 : i32
    %dma_start3A_204 = tpu.memref_slice %arg2[%select_n3A_125, %select_n3A_141, %dma_start3A_202, %dma_start3A_203] : memref<8x19x512x512xf32, #tpu.memory_space<hbm>> -> memref<1x1x64x512xf32, #tpu.memory_space<hbm>>
    %dma_start3A_205 = tpu.memref_squeeze %dma_start3A_204 : memref<1x1x64x512xf32, #tpu.memory_space<hbm>> -> memref<64x512xf32, #tpu.memory_space<hbm>>
    tpu.enqueue_dma source(%dma_start3A_205 : memref<64x512xf32, #tpu.memory_space<hbm>>) target(%arg5 : memref<64x512xf32, #tpu.memory_space<vmem>>) target_semaphore(%arg7 : memref<!tpu.dma_semaphore, #tpu.memory_space<semaphore_mem>>)
    %dma_wait3A = arith.constant 0 : i32
    %dma_wait3A_206 = arith.constant 0 : i32
    %dma_wait3A_207 = tpu.memref_slice %arg2[%select_n3A, %select_n3A_34, %dma_wait3A, %dma_wait3A_206] : memref<8x19x512x512xf32, #tpu.memory_space<hbm>> -> memref<1x1x64x512xf32, #tpu.memory_space<hbm>>
    %dma_wait3A_208 = tpu.memref_squeeze %dma_wait3A_207 : memref<1x1x64x512xf32, #tpu.memory_space<hbm>> -> memref<64x512xf32, #tpu.memory_space<hbm>>
    %dma_wait3A_209 = arith.constant 0 : i32
    %dma_wait3A_210 = arith.constant 0 : i32
    %dma_wait3A_211 = tpu.memref_slice %arg2[%select_n3A, %select_n3A_34, %dma_wait3A_209, %dma_wait3A_210] : memref<8x19x512x512xf32, #tpu.memory_space<hbm>> -> memref<1x1x64x512xf32, #tpu.memory_space<hbm>>
    %dma_wait3A_212 = tpu.memref_squeeze %dma_wait3A_211 : memref<1x1x64x512xf32, #tpu.memory_space<hbm>> -> memref<64x512xf32, #tpu.memory_space<hbm>>
    tpu.wait_dma2 semaphore(%arg7 : memref<!tpu.dma_semaphore, #tpu.memory_space<semaphore_mem>>) src(%dma_wait3A_212 : memref<64x512xf32, #tpu.memory_space<hbm>>) dst(%arg4 : memref<64x512xf32, #tpu.memory_space<vmem>>)
    %dma_wait3A_213 = arith.constant 64 : i32
    %dma_wait3A_214 = arith.constant 0 : i32
    %dma_wait3A_215 = tpu.memref_slice %arg2[%select_n3A, %select_n3A_34, %dma_wait3A_213, %dma_wait3A_214] : memref<8x19x512x512xf32, #tpu.memory_space<hbm>> -> memref<1x1x64x512xf32, #tpu.memory_space<hbm>>
    %dma_wait3A_216 = tpu.memref_squeeze %dma_wait3A_215 : memref<1x1x64x512xf32, #tpu.memory_space<hbm>> -> memref<64x512xf32, #tpu.memory_space<hbm>>
    %dma_wait3A_217 = arith.constant 64 : i32
    %dma_wait3A_218 = arith.constant 0 : i32
    %dma_wait3A_219 = tpu.memref_slice %arg2[%select_n3A, %select_n3A_34, %dma_wait3A_217, %dma_wait3A_218] : memref<8x19x512x512xf32, #tpu.memory_space<hbm>> -> memref<1x1x64x512xf32, #tpu.memory_space<hbm>>
    %dma_wait3A_220 = tpu.memref_squeeze %dma_wait3A_219 : memref<1x1x64x512xf32, #tpu.memory_space<hbm>> -> memref<64x512xf32, #tpu.memory_space<hbm>>
    tpu.wait_dma2 semaphore(%arg7 : memref<!tpu.dma_semaphore, #tpu.memory_space<semaphore_mem>>) src(%dma_wait3A_220 : memref<64x512xf32, #tpu.memory_space<hbm>>) dst(%arg5 : memref<64x512xf32, #tpu.memory_space<vmem>>)
    %dma_wait3A_221 = arith.constant 128 : i32
    %dma_wait3A_222 = arith.constant 0 : i32
    %dma_wait3A_223 = tpu.memref_slice %arg2[%select_n3A, %select_n3A_34, %dma_wait3A_221, %dma_wait3A_222] : memref<8x19x512x512xf32, #tpu.memory_space<hbm>> -> memref<1x1x64x512xf32, #tpu.memory_space<hbm>>
    %dma_wait3A_224 = tpu.memref_squeeze %dma_wait3A_223 : memref<1x1x64x512xf32, #tpu.memory_space<hbm>> -> memref<64x512xf32, #tpu.memory_space<hbm>>
    %dma_wait3A_225 = arith.constant 128 : i32
    %dma_wait3A_226 = arith.constant 0 : i32
    %dma_wait3A_227 = tpu.memref_slice %arg2[%select_n3A, %select_n3A_34, %dma_wait3A_225, %dma_wait3A_226] : memref<8x19x512x512xf32, #tpu.memory_space<hbm>> -> memref<1x1x64x512xf32, #tpu.memory_space<hbm>>
    %dma_wait3A_228 = tpu.memref_squeeze %dma_wait3A_227 : memref<1x1x64x512xf32, #tpu.memory_space<hbm>> -> memref<64x512xf32, #tpu.memory_space<hbm>>
    tpu.wait_dma2 semaphore(%arg7 : memref<!tpu.dma_semaphore, #tpu.memory_space<semaphore_mem>>) src(%dma_wait3A_228 : memref<64x512xf32, #tpu.memory_space<hbm>>) dst(%arg4 : memref<64x512xf32, #tpu.memory_space<vmem>>)
    %dma_wait3A_229 = arith.constant 192 : i32
    %dma_wait3A_230 = arith.constant 0 : i32
    %dma_wait3A_231 = tpu.memref_slice %arg2[%select_n3A, %select_n3A_34, %dma_wait3A_229, %dma_wait3A_230] : memref<8x19x512x512xf32, #tpu.memory_space<hbm>> -> memref<1x1x64x512xf32, #tpu.memory_space<hbm>>
    %dma_wait3A_232 = tpu.memref_squeeze %dma_wait3A_231 : memref<1x1x64x512xf32, #tpu.memory_space<hbm>> -> memref<64x512xf32, #tpu.memory_space<hbm>>
    %dma_wait3A_233 = arith.constant 192 : i32
    %dma_wait3A_234 = arith.constant 0 : i32
    %dma_wait3A_235 = tpu.memref_slice %arg2[%select_n3A, %select_n3A_34, %dma_wait3A_233, %dma_wait3A_234] : memref<8x19x512x512xf32, #tpu.memory_space<hbm>> -> memref<1x1x64x512xf32, #tpu.memory_space<hbm>>
    %dma_wait3A_236 = tpu.memref_squeeze %dma_wait3A_235 : memref<1x1x64x512xf32, #tpu.memory_space<hbm>> -> memref<64x512xf32, #tpu.memory_space<hbm>>
    tpu.wait_dma2 semaphore(%arg7 : memref<!tpu.dma_semaphore, #tpu.memory_space<semaphore_mem>>) src(%dma_wait3A_236 : memref<64x512xf32, #tpu.memory_space<hbm>>) dst(%arg5 : memref<64x512xf32, #tpu.memory_space<vmem>>)
    %dma_wait3A_237 = arith.constant 256 : i32
    %dma_wait3A_238 = arith.constant 0 : i32
    %dma_wait3A_239 = tpu.memref_slice %arg2[%select_n3A, %select_n3A_34, %dma_wait3A_237, %dma_wait3A_238] : memref<8x19x512x512xf32, #tpu.memory_space<hbm>> -> memref<1x1x64x512xf32, #tpu.memory_space<hbm>>
    %dma_wait3A_240 = tpu.memref_squeeze %dma_wait3A_239 : memref<1x1x64x512xf32, #tpu.memory_space<hbm>> -> memref<64x512xf32, #tpu.memory_space<hbm>>
    %dma_wait3A_241 = arith.constant 256 : i32
    %dma_wait3A_242 = arith.constant 0 : i32
    %dma_wait3A_243 = tpu.memref_slice %arg2[%select_n3A, %select_n3A_34, %dma_wait3A_241, %dma_wait3A_242] : memref<8x19x512x512xf32, #tpu.memory_space<hbm>> -> memref<1x1x64x512xf32, #tpu.memory_space<hbm>>
    %dma_wait3A_244 = tpu.memref_squeeze %dma_wait3A_243 : memref<1x1x64x512xf32, #tpu.memory_space<hbm>> -> memref<64x512xf32, #tpu.memory_space<hbm>>
    tpu.wait_dma2 semaphore(%arg7 : memref<!tpu.dma_semaphore, #tpu.memory_space<semaphore_mem>>) src(%dma_wait3A_244 : memref<64x512xf32, #tpu.memory_space<hbm>>) dst(%arg4 : memref<64x512xf32, #tpu.memory_space<vmem>>)
    %dma_wait3A_245 = arith.constant 320 : i32
    %dma_wait3A_246 = arith.constant 0 : i32
    %dma_wait3A_247 = tpu.memref_slice %arg2[%select_n3A, %select_n3A_34, %dma_wait3A_245, %dma_wait3A_246] : memref<8x19x512x512xf32, #tpu.memory_space<hbm>> -> memref<1x1x64x512xf32, #tpu.memory_space<hbm>>
    %dma_wait3A_248 = tpu.memref_squeeze %dma_wait3A_247 : memref<1x1x64x512xf32, #tpu.memory_space<hbm>> -> memref<64x512xf32, #tpu.memory_space<hbm>>
    %dma_wait3A_249 = arith.constant 320 : i32
    %dma_wait3A_250 = arith.constant 0 : i32
    %dma_wait3A_251 = tpu.memref_slice %arg2[%select_n3A, %select_n3A_34, %dma_wait3A_249, %dma_wait3A_250] : memref<8x19x512x512xf32, #tpu.memory_space<hbm>> -> memref<1x1x64x512xf32, #tpu.memory_space<hbm>>
    %dma_wait3A_252 = tpu.memref_squeeze %dma_wait3A_251 : memref<1x1x64x512xf32, #tpu.memory_space<hbm>> -> memref<64x512xf32, #tpu.memory_space<hbm>>
    tpu.wait_dma2 semaphore(%arg7 : memref<!tpu.dma_semaphore, #tpu.memory_space<semaphore_mem>>) src(%dma_wait3A_252 : memref<64x512xf32, #tpu.memory_space<hbm>>) dst(%arg5 : memref<64x512xf32, #tpu.memory_space<vmem>>)
    %dma_wait3A_253 = arith.constant 384 : i32
    %dma_wait3A_254 = arith.constant 0 : i32
    %dma_wait3A_255 = tpu.memref_slice %arg2[%select_n3A, %select_n3A_34, %dma_wait3A_253, %dma_wait3A_254] : memref<8x19x512x512xf32, #tpu.memory_space<hbm>> -> memref<1x1x64x512xf32, #tpu.memory_space<hbm>>
    %dma_wait3A_256 = tpu.memref_squeeze %dma_wait3A_255 : memref<1x1x64x512xf32, #tpu.memory_space<hbm>> -> memref<64x512xf32, #tpu.memory_space<hbm>>
    %dma_wait3A_257 = arith.constant 384 : i32
    %dma_wait3A_258 = arith.constant 0 : i32
    %dma_wait3A_259 = tpu.memref_slice %arg2[%select_n3A, %select_n3A_34, %dma_wait3A_257, %dma_wait3A_258] : memref<8x19x512x512xf32, #tpu.memory_space<hbm>> -> memref<1x1x64x512xf32, #tpu.memory_space<hbm>>
    %dma_wait3A_260 = tpu.memref_squeeze %dma_wait3A_259 : memref<1x1x64x512xf32, #tpu.memory_space<hbm>> -> memref<64x512xf32, #tpu.memory_space<hbm>>
    tpu.wait_dma2 semaphore(%arg7 : memref<!tpu.dma_semaphore, #tpu.memory_space<semaphore_mem>>) src(%dma_wait3A_260 : memref<64x512xf32, #tpu.memory_space<hbm>>) dst(%arg4 : memref<64x512xf32, #tpu.memory_space<vmem>>)
    %dma_wait3A_261 = arith.constant 448 : i32
    %dma_wait3A_262 = arith.constant 0 : i32
    %dma_wait3A_263 = tpu.memref_slice %arg2[%select_n3A, %select_n3A_34, %dma_wait3A_261, %dma_wait3A_262] : memref<8x19x512x512xf32, #tpu.memory_space<hbm>> -> memref<1x1x64x512xf32, #tpu.memory_space<hbm>>
    %dma_wait3A_264 = tpu.memref_squeeze %dma_wait3A_263 : memref<1x1x64x512xf32, #tpu.memory_space<hbm>> -> memref<64x512xf32, #tpu.memory_space<hbm>>
    %dma_wait3A_265 = arith.constant 448 : i32
    %dma_wait3A_266 = arith.constant 0 : i32
    %dma_wait3A_267 = tpu.memref_slice %arg2[%select_n3A, %select_n3A_34, %dma_wait3A_265, %dma_wait3A_266] : memref<8x19x512x512xf32, #tpu.memory_space<hbm>> -> memref<1x1x64x512xf32, #tpu.memory_space<hbm>>
    %dma_wait3A_268 = tpu.memref_squeeze %dma_wait3A_267 : memref<1x1x64x512xf32, #tpu.memory_space<hbm>> -> memref<64x512xf32, #tpu.memory_space<hbm>>
    tpu.wait_dma2 semaphore(%arg7 : memref<!tpu.dma_semaphore, #tpu.memory_space<semaphore_mem>>) src(%dma_wait3A_268 : memref<64x512xf32, #tpu.memory_space<hbm>>) dst(%arg5 : memref<64x512xf32, #tpu.memory_space<vmem>>)
    %dma_wait3A_269 = arith.constant 0 : i32
    %dma_wait3A_270 = arith.constant 0 : i32
    %dma_wait3A_271 = tpu.memref_slice %arg2[%select_n3A_125, %select_n3A_141, %dma_wait3A_269, %dma_wait3A_270] : memref<8x19x512x512xf32, #tpu.memory_space<hbm>> -> memref<1x1x64x512xf32, #tpu.memory_space<hbm>>
    %dma_wait3A_272 = tpu.memref_squeeze %dma_wait3A_271 : memref<1x1x64x512xf32, #tpu.memory_space<hbm>> -> memref<64x512xf32, #tpu.memory_space<hbm>>
    %dma_wait3A_273 = arith.constant 0 : i32
    %dma_wait3A_274 = arith.constant 0 : i32
    %dma_wait3A_275 = tpu.memref_slice %arg2[%select_n3A_125, %select_n3A_141, %dma_wait3A_273, %dma_wait3A_274] : memref<8x19x512x512xf32, #tpu.memory_space<hbm>> -> memref<1x1x64x512xf32, #tpu.memory_space<hbm>>
    %dma_wait3A_276 = tpu.memref_squeeze %dma_wait3A_275 : memref<1x1x64x512xf32, #tpu.memory_space<hbm>> -> memref<64x512xf32, #tpu.memory_space<hbm>>
    tpu.wait_dma2 semaphore(%arg7 : memref<!tpu.dma_semaphore, #tpu.memory_space<semaphore_mem>>) src(%dma_wait3A_276 : memref<64x512xf32, #tpu.memory_space<hbm>>) dst(%arg4 : memref<64x512xf32, #tpu.memory_space<vmem>>)
    %dma_wait3A_277 = arith.constant 64 : i32
    %dma_wait3A_278 = arith.constant 0 : i32
    %dma_wait3A_279 = tpu.memref_slice %arg2[%select_n3A_125, %select_n3A_141, %dma_wait3A_277, %dma_wait3A_278] : memref<8x19x512x512xf32, #tpu.memory_space<hbm>> -> memref<1x1x64x512xf32, #tpu.memory_space<hbm>>
    %dma_wait3A_280 = tpu.memref_squeeze %dma_wait3A_279 : memref<1x1x64x512xf32, #tpu.memory_space<hbm>> -> memref<64x512xf32, #tpu.memory_space<hbm>>
    %dma_wait3A_281 = arith.constant 64 : i32
    %dma_wait3A_282 = arith.constant 0 : i32
    %dma_wait3A_283 = tpu.memref_slice %arg2[%select_n3A_125, %select_n3A_141, %dma_wait3A_281, %dma_wait3A_282] : memref<8x19x512x512xf32, #tpu.memory_space<hbm>> -> memref<1x1x64x512xf32, #tpu.memory_space<hbm>>
    %dma_wait3A_284 = tpu.memref_squeeze %dma_wait3A_283 : memref<1x1x64x512xf32, #tpu.memory_space<hbm>> -> memref<64x512xf32, #tpu.memory_space<hbm>>
    tpu.wait_dma2 semaphore(%arg7 : memref<!tpu.dma_semaphore, #tpu.memory_space<semaphore_mem>>) src(%dma_wait3A_284 : memref<64x512xf32, #tpu.memory_space<hbm>>) dst(%arg5 : memref<64x512xf32, #tpu.memory_space<vmem>>)
    %dma_wait3A_285 = arith.constant 128 : i32
    %dma_wait3A_286 = arith.constant 0 : i32
    %dma_wait3A_287 = tpu.memref_slice %arg2[%select_n3A_125, %select_n3A_141, %dma_wait3A_285, %dma_wait3A_286] : memref<8x19x512x512xf32, #tpu.memory_space<hbm>> -> memref<1x1x64x512xf32, #tpu.memory_space<hbm>>
    %dma_wait3A_288 = tpu.memref_squeeze %dma_wait3A_287 : memref<1x1x64x512xf32, #tpu.memory_space<hbm>> -> memref<64x512xf32, #tpu.memory_space<hbm>>
    %dma_wait3A_289 = arith.constant 128 : i32
    %dma_wait3A_290 = arith.constant 0 : i32
    %dma_wait3A_291 = tpu.memref_slice %arg2[%select_n3A_125, %select_n3A_141, %dma_wait3A_289, %dma_wait3A_290] : memref<8x19x512x512xf32, #tpu.memory_space<hbm>> -> memref<1x1x64x512xf32, #tpu.memory_space<hbm>>
    %dma_wait3A_292 = tpu.memref_squeeze %dma_wait3A_291 : memref<1x1x64x512xf32, #tpu.memory_space<hbm>> -> memref<64x512xf32, #tpu.memory_space<hbm>>
    tpu.wait_dma2 semaphore(%arg7 : memref<!tpu.dma_semaphore, #tpu.memory_space<semaphore_mem>>) src(%dma_wait3A_292 : memref<64x512xf32, #tpu.memory_space<hbm>>) dst(%arg4 : memref<64x512xf32, #tpu.memory_space<vmem>>)
    %dma_wait3A_293 = arith.constant 192 : i32
    %dma_wait3A_294 = arith.constant 0 : i32
    %dma_wait3A_295 = tpu.memref_slice %arg2[%select_n3A_125, %select_n3A_141, %dma_wait3A_293, %dma_wait3A_294] : memref<8x19x512x512xf32, #tpu.memory_space<hbm>> -> memref<1x1x64x512xf32, #tpu.memory_space<hbm>>
    %dma_wait3A_296 = tpu.memref_squeeze %dma_wait3A_295 : memref<1x1x64x512xf32, #tpu.memory_space<hbm>> -> memref<64x512xf32, #tpu.memory_space<hbm>>
    %dma_wait3A_297 = arith.constant 192 : i32
    %dma_wait3A_298 = arith.constant 0 : i32
    %dma_wait3A_299 = tpu.memref_slice %arg2[%select_n3A_125, %select_n3A_141, %dma_wait3A_297, %dma_wait3A_298] : memref<8x19x512x512xf32, #tpu.memory_space<hbm>> -> memref<1x1x64x512xf32, #tpu.memory_space<hbm>>
    %dma_wait3A_300 = tpu.memref_squeeze %dma_wait3A_299 : memref<1x1x64x512xf32, #tpu.memory_space<hbm>> -> memref<64x512xf32, #tpu.memory_space<hbm>>
    tpu.wait_dma2 semaphore(%arg7 : memref<!tpu.dma_semaphore, #tpu.memory_space<semaphore_mem>>) src(%dma_wait3A_300 : memref<64x512xf32, #tpu.memory_space<hbm>>) dst(%arg5 : memref<64x512xf32, #tpu.memory_space<vmem>>)
    %dma_wait3A_301 = arith.constant 256 : i32
    %dma_wait3A_302 = arith.constant 0 : i32
    %dma_wait3A_303 = tpu.memref_slice %arg2[%select_n3A_125, %select_n3A_141, %dma_wait3A_301, %dma_wait3A_302] : memref<8x19x512x512xf32, #tpu.memory_space<hbm>> -> memref<1x1x64x512xf32, #tpu.memory_space<hbm>>
    %dma_wait3A_304 = tpu.memref_squeeze %dma_wait3A_303 : memref<1x1x64x512xf32, #tpu.memory_space<hbm>> -> memref<64x512xf32, #tpu.memory_space<hbm>>
    %dma_wait3A_305 = arith.constant 256 : i32
    %dma_wait3A_306 = arith.constant 0 : i32
    %dma_wait3A_307 = tpu.memref_slice %arg2[%select_n3A_125, %select_n3A_141, %dma_wait3A_305, %dma_wait3A_306] : memref<8x19x512x512xf32, #tpu.memory_space<hbm>> -> memref<1x1x64x512xf32, #tpu.memory_space<hbm>>
    %dma_wait3A_308 = tpu.memref_squeeze %dma_wait3A_307 : memref<1x1x64x512xf32, #tpu.memory_space<hbm>> -> memref<64x512xf32, #tpu.memory_space<hbm>>
    tpu.wait_dma2 semaphore(%arg7 : memref<!tpu.dma_semaphore, #tpu.memory_space<semaphore_mem>>) src(%dma_wait3A_308 : memref<64x512xf32, #tpu.memory_space<hbm>>) dst(%arg4 : memref<64x512xf32, #tpu.memory_space<vmem>>)
    %dma_wait3A_309 = arith.constant 320 : i32
    %dma_wait3A_310 = arith.constant 0 : i32
    %dma_wait3A_311 = tpu.memref_slice %arg2[%select_n3A_125, %select_n3A_141, %dma_wait3A_309, %dma_wait3A_310] : memref<8x19x512x512xf32, #tpu.memory_space<hbm>> -> memref<1x1x64x512xf32, #tpu.memory_space<hbm>>
    %dma_wait3A_312 = tpu.memref_squeeze %dma_wait3A_311 : memref<1x1x64x512xf32, #tpu.memory_space<hbm>> -> memref<64x512xf32, #tpu.memory_space<hbm>>
    %dma_wait3A_313 = arith.constant 320 : i32
    %dma_wait3A_314 = arith.constant 0 : i32
    %dma_wait3A_315 = tpu.memref_slice %arg2[%select_n3A_125, %select_n3A_141, %dma_wait3A_313, %dma_wait3A_314] : memref<8x19x512x512xf32, #tpu.memory_space<hbm>> -> memref<1x1x64x512xf32, #tpu.memory_space<hbm>>
    %dma_wait3A_316 = tpu.memref_squeeze %dma_wait3A_315 : memref<1x1x64x512xf32, #tpu.memory_space<hbm>> -> memref<64x512xf32, #tpu.memory_space<hbm>>
    tpu.wait_dma2 semaphore(%arg7 : memref<!tpu.dma_semaphore, #tpu.memory_space<semaphore_mem>>) src(%dma_wait3A_316 : memref<64x512xf32, #tpu.memory_space<hbm>>) dst(%arg5 : memref<64x512xf32, #tpu.memory_space<vmem>>)
    %dma_wait3A_317 = arith.constant 384 : i32
    %dma_wait3A_318 = arith.constant 0 : i32
    %dma_wait3A_319 = tpu.memref_slice %arg2[%select_n3A_125, %select_n3A_141, %dma_wait3A_317, %dma_wait3A_318] : memref<8x19x512x512xf32, #tpu.memory_space<hbm>> -> memref<1x1x64x512xf32, #tpu.memory_space<hbm>>
    %dma_wait3A_320 = tpu.memref_squeeze %dma_wait3A_319 : memref<1x1x64x512xf32, #tpu.memory_space<hbm>> -> memref<64x512xf32, #tpu.memory_space<hbm>>
    %dma_wait3A_321 = arith.constant 384 : i32
    %dma_wait3A_322 = arith.constant 0 : i32
    %dma_wait3A_323 = tpu.memref_slice %arg2[%select_n3A_125, %select_n3A_141, %dma_wait3A_321, %dma_wait3A_322] : memref<8x19x512x512xf32, #tpu.memory_space<hbm>> -> memref<1x1x64x512xf32, #tpu.memory_space<hbm>>
    %dma_wait3A_324 = tpu.memref_squeeze %dma_wait3A_323 : memref<1x1x64x512xf32, #tpu.memory_space<hbm>> -> memref<64x512xf32, #tpu.memory_space<hbm>>
    tpu.wait_dma2 semaphore(%arg7 : memref<!tpu.dma_semaphore, #tpu.memory_space<semaphore_mem>>) src(%dma_wait3A_324 : memref<64x512xf32, #tpu.memory_space<hbm>>) dst(%arg4 : memref<64x512xf32, #tpu.memory_space<vmem>>)
    %dma_wait3A_325 = arith.constant 448 : i32
    %dma_wait3A_326 = arith.constant 0 : i32
    %dma_wait3A_327 = tpu.memref_slice %arg2[%select_n3A_125, %select_n3A_141, %dma_wait3A_325, %dma_wait3A_326] : memref<8x19x512x512xf32, #tpu.memory_space<hbm>> -> memref<1x1x64x512xf32, #tpu.memory_space<hbm>>
    %dma_wait3A_328 = tpu.memref_squeeze %dma_wait3A_327 : memref<1x1x64x512xf32, #tpu.memory_space<hbm>> -> memref<64x512xf32, #tpu.memory_space<hbm>>
    %dma_wait3A_329 = arith.constant 448 : i32
    %dma_wait3A_330 = arith.constant 0 : i32
    %dma_wait3A_331 = tpu.memref_slice %arg2[%select_n3A_125, %select_n3A_141, %dma_wait3A_329, %dma_wait3A_330] : memref<8x19x512x512xf32, #tpu.memory_space<hbm>> -> memref<1x1x64x512xf32, #tpu.memory_space<hbm>>
    %dma_wait3A_332 = tpu.memref_squeeze %dma_wait3A_331 : memref<1x1x64x512xf32, #tpu.memory_space<hbm>> -> memref<64x512xf32, #tpu.memory_space<hbm>>
    tpu.wait_dma2 semaphore(%arg7 : memref<!tpu.dma_semaphore, #tpu.memory_space<semaphore_mem>>) src(%dma_wait3A_332 : memref<64x512xf32, #tpu.memory_space<hbm>>) dst(%arg5 : memref<64x512xf32, #tpu.memory_space<vmem>>)
    %broadcast_in_dim3A = arith.constant 0.000000e+00 : f32
    %broadcast_in_dim3A_333 = vector.broadcast %broadcast_in_dim3A : f32 to vector<16xf32>
    %swap3A = arith.constant 0 : index
    %swap3A_334 = tpu.vector_load %arg6[%swap3A] {strides = array<i32>} : memref<16xf32, #tpu.memory_space<vmem>>, vector<16xf32>,
    %swap3A_335 = vector.shape_cast %swap3A_334 : vector<16xf32> to vector<16xf32>
    %swap3A_336 = vector.shape_cast %broadcast_in_dim3A_333 : vector<16xf32> to vector<16xf32>
    tpu.vector_store %arg6[%swap3A], %swap3A_336 {strides = array<i32>} : memref<16xf32, #tpu.memory_space<vmem>>, vector<16xf32>,
    "tpu.region"() ({
      %run_scoped3A = tpu.sem_alloc : memref<!tpu.dma_semaphore, #tpu.memory_space<semaphore_mem>>
      %dma_start3A_337 = arith.constant 0 : i32
      %dma_start3A_338 = tpu.memref_slice %arg3[%add3A, %dma_start3A_337] : memref<32x16xf32, #tpu.memory_space<hbm>> -> memref<1x16xf32, #tpu.memory_space<hbm>>
      %dma_start3A_339 = tpu.memref_squeeze %dma_start3A_338 : memref<1x16xf32, #tpu.memory_space<hbm>> -> memref<16xf32, #tpu.memory_space<hbm>>
      %dma_start3A_340 = arith.constant 0 : i32
      %dma_start3A_341 = tpu.memref_slice %arg3[%add3A, %dma_start3A_340] : memref<32x16xf32, #tpu.memory_space<hbm>> -> memref<1x16xf32, #tpu.memory_space<hbm>>
      %dma_start3A_342 = tpu.memref_squeeze %dma_start3A_341 : memref<1x16xf32, #tpu.memory_space<hbm>> -> memref<16xf32, #tpu.memory_space<hbm>>
      tpu.enqueue_dma source(%arg6 : memref<16xf32, #tpu.memory_space<vmem>>) target(%dma_start3A_342 : memref<16xf32, #tpu.memory_space<hbm>>) target_semaphore(%run_scoped3A : memref<!tpu.dma_semaphore, #tpu.memory_space<semaphore_mem>>)
      %dma_wait3A_343 = arith.constant 0 : i32
      %dma_wait3A_344 = tpu.memref_slice %arg3[%add3A, %dma_wait3A_343] : memref<32x16xf32, #tpu.memory_space<hbm>> -> memref<1x16xf32, #tpu.memory_space<hbm>>
      %dma_wait3A_345 = tpu.memref_squeeze %dma_wait3A_344 : memref<1x16xf32, #tpu.memory_space<hbm>> -> memref<16xf32, #tpu.memory_space<hbm>>
      %dma_wait3A_346 = arith.constant 0 : i32
      %dma_wait3A_347 = tpu.memref_slice %arg3[%add3A, %dma_wait3A_346] : memref<32x16xf32, #tpu.memory_space<hbm>> -> memref<1x16xf32, #tpu.memory_space<hbm>>
      %dma_wait3A_348 = tpu.memref_squeeze %dma_wait3A_347 : memref<1x16xf32, #tpu.memory_space<hbm>> -> memref<16xf32, #tpu.memory_space<hbm>>
      tpu.wait_dma2 semaphore(%run_scoped3A : memref<!tpu.dma_semaphore, #tpu.memory_space<semaphore_mem>>) src(%arg6 : memref<16xf32, #tpu.memory_space<vmem>>) dst(%dma_wait3A_348 : memref<16xf32, #tpu.memory_space<hbm>>)
      tpu.yield
    }) : () -> ()
    return
  }
}

module attributes {stable_mosaic.version = 14 : i64} {
  func.func @_tc_body(%arg0: i32, %arg1: memref<1x19x256x512xf32, #tpu.memory_space<vmem>>, %arg2: memref<1x256x512xi32, #tpu.memory_space<vmem>>, %arg3: memref<1x1xf32, #tpu.memory_space<smem>>, %arg4: memref<2xf32, #tpu.memory_space<smem>>) attributes {dimension_semantics = [#tpu.dimension_semantics<arbitrary>], iteration_bounds = array<i64: 16>, scalar_prefetch = 0 : i64, scratch_operands = 1 : i64, tpu.core_type = #tpu.core_type<tc>, window_params = [{transform_indices = @transform_0, window_bounds = array<i64: 1, 19, 256, 512>}, {transform_indices = @transform_1, window_bounds = array<i64: 1, 256, 512>}, {transform_indices = @transform_2, window_bounds = array<i64: 1, 1>}]} {
    %get3A = arith.constant 0 : index
    %get3A_0 = arith.constant 0 : index
    %get3A_1 = arith.constant 0 : index
    %get3A_2 = arith.constant 0 : index
    %get3A_3 = vector.load %arg1[%get3A, %get3A_0, %get3A_1, %get3A_2] : memref<1x19x256x512xf32, #tpu.memory_space<vmem>>, vector<1x19x256x512xf32>
    %get3A_4 = vector.shape_cast %get3A_3 : vector<1x19x256x512xf32> to vector<19x256x512xf32>
    %reduce_sum3A = vector.shape_cast %get3A_4 : vector<19x256x512xf32> to vector<1x19x256x512xf32>
    %reduce_sum3A_5 = arith.constant dense<0.000000e+00> : vector<1xf32>
    %reduce_sum3A_6 = vector.multi_reduction <add>, %reduce_sum3A, %reduce_sum3A_5 [1, 2, 3] : vector<1x19x256x512xf32> to vector<1xf32>
    %reduce_sum3A_7 = vector.shape_cast %reduce_sum3A_6 : vector<1xf32> to vector<1x1x1x1xf32>
    %reduce_sum3A_8 = vector.extract %reduce_sum3A_7[0, 0, 0, 0] : f32 from vector<1x1x1x1xf32>
    %eq3A = arith.constant 0 : i32
    %eq3A_9 = arith.cmpi eq, %arg0, %eq3A : i32
    %convert_element_type3A = arith.extui %eq3A_9 : i1 to i32
    %cond3A = arith.constant 0 : i32
    %cond3A_10 = arith.cmpi ne, %convert_element_type3A, %cond3A : i32
    scf.if %cond3A_10 {
      %swap3A_19 = arith.constant 0.000000e+00 : f32
      %swap3A_20 = arith.constant 0 : index
      %swap3A_21 = memref.load %arg4[%swap3A_20] : memref<2xf32, #tpu.memory_space<smem>>
      memref.store %swap3A_19, %arg4[%swap3A_20] : memref<2xf32, #tpu.memory_space<smem>>
    } else {
    }
    %get3A_11 = arith.constant 0 : index
    %get3A_12 = memref.load %arg4[%get3A_11] : memref<2xf32, #tpu.memory_space<smem>>
    %add3A = arith.addf %get3A_12, %reduce_sum3A_8 : f32
    %swap3A = arith.constant 0 : index
    %swap3A_13 = memref.load %arg4[%swap3A] : memref<2xf32, #tpu.memory_space<smem>>
    memref.store %add3A, %arg4[%swap3A] : memref<2xf32, #tpu.memory_space<smem>>
    %eq3A_14 = arith.constant 15 : i32
    %eq3A_15 = arith.cmpi eq, %arg0, %eq3A_14 : i32
    %convert_element_type3A_16 = arith.extui %eq3A_15 : i1 to i32
    %cond3A_17 = arith.constant 0 : i32
    %cond3A_18 = arith.cmpi ne, %convert_element_type3A_16, %cond3A_17 : i32
    scf.if %cond3A_18 {
      %get3A_19 = arith.constant 0 : index
      %get3A_20 = memref.load %arg4[%get3A_19] : memref<2xf32, #tpu.memory_space<smem>>
      %swap3A_21 = arith.constant 0 : index
      %swap3A_22 = arith.constant 0 : index
      %swap3A_23 = memref.load %arg3[%swap3A_21, %swap3A_22] : memref<1x1xf32, #tpu.memory_space<smem>>
      memref.store %get3A_20, %arg3[%swap3A_21, %swap3A_22] : memref<1x1xf32, #tpu.memory_space<smem>>
    } else {
    }
    return
  }
  func.func @transform_0(%arg0: i32) -> (i32, i32, i32, i32) {
    %jit3A = arith.constant 2 : i32
    %div3A = arith.divsi %arg0, %jit3A : i32
    %sign3A = arith.constant 0 : i32
    %sign3A_0 = arith.cmpi sgt, %arg0, %sign3A : i32
    %sign3A_1 = arith.extui %sign3A_0 : i1 to i32
    %sign3A_2 = arith.constant 0 : i32
    %sign3A_3 = arith.cmpi slt, %arg0, %sign3A_2 : i32
    %sign3A_4 = arith.extui %sign3A_3 : i1 to i32
    %sign3A_5 = arith.subi %sign3A_1, %sign3A_4 : i32
    %sign3A_6 = arith.constant 0 : i32
    %sign3A_7 = arith.cmpi sgt, %jit3A, %sign3A_6 : i32
    %sign3A_8 = arith.extui %sign3A_7 : i1 to i32
    %sign3A_9 = arith.constant 0 : i32
    %sign3A_10 = arith.cmpi slt, %jit3A, %sign3A_9 : i32
    %sign3A_11 = arith.extui %sign3A_10 : i1 to i32
    %sign3A_12 = arith.subi %sign3A_8, %sign3A_11 : i32
    %ne3A = arith.cmpi ne, %sign3A_5, %sign3A_12 : i32
    %rem3A = arith.remsi %arg0, %jit3A : i32
    %ne3A_13 = arith.constant 0 : i32
    %ne3A_14 = arith.cmpi ne, %rem3A, %ne3A_13 : i32
    %and3A = arith.andi %ne3A, %ne3A_14 : i1
    %sub3A = arith.constant 1 : i32
    %sub3A_15 = arith.subi %div3A, %sub3A : i32
    %select_n3A = arith.select %and3A, %sub3A_15, %div3A : i32
    %jit3A_16 = arith.constant 2 : i32
    %eq3A = arith.constant 0 : i32
    %eq3A_17 = arith.cmpi eq, %jit3A_16, %eq3A : i32
    %jit3A_18 = arith.constant 1 : i32
    %select_n3A_19 = arith.select %eq3A_17, %jit3A_18, %jit3A_16 : i32
    %rem3A_20 = arith.remsi %arg0, %select_n3A_19 : i32
    %ne3A_21 = arith.constant 0 : i32
    %ne3A_22 = arith.cmpi ne, %rem3A_20, %ne3A_21 : i32
    %lt3A = arith.constant 0 : i32
    %lt3A_23 = arith.cmpi slt, %rem3A_20, %lt3A : i32
    %lt3A_24 = arith.constant 0 : i32
    %lt3A_25 = arith.cmpi slt, %select_n3A_19, %lt3A_24 : i32
    %ne3A_26 = arith.xori %lt3A_23, %lt3A_25 : i1
    %and3A_27 = arith.andi %ne3A_26, %ne3A_22 : i1
    %add3A = arith.addi %rem3A_20, %select_n3A_19 : i32
    %select_n3A_28 = arith.select %and3A_27, %add3A, %rem3A_20 : i32
    %c0_i32 = arith.constant 0 : i32
    %c0_i32_29 = arith.constant 0 : i32
    %c0_i32_30 = arith.constant 0 : i32
    return %select_n3A, %c0_i32, %select_n3A_28, %c0_i32_29 : i32, i32, i32, i32
  }
  func.func @transform_1(%arg0: i32) -> (i32, i32, i32) {
    %jit3A = arith.constant 2 : i32
    %div3A = arith.divsi %arg0, %jit3A : i32
    %sign3A = arith.constant 0 : i32
    %sign3A_0 = arith.cmpi sgt, %arg0, %sign3A : i32
    %sign3A_1 = arith.extui %sign3A_0 : i1 to i32
    %sign3A_2 = arith.constant 0 : i32
    %sign3A_3 = arith.cmpi slt, %arg0, %sign3A_2 : i32
    %sign3A_4 = arith.extui %sign3A_3 : i1 to i32
    %sign3A_5 = arith.subi %sign3A_1, %sign3A_4 : i32
    %sign3A_6 = arith.constant 0 : i32
    %sign3A_7 = arith.cmpi sgt, %jit3A, %sign3A_6 : i32
    %sign3A_8 = arith.extui %sign3A_7 : i1 to i32
    %sign3A_9 = arith.constant 0 : i32
    %sign3A_10 = arith.cmpi slt, %jit3A, %sign3A_9 : i32
    %sign3A_11 = arith.extui %sign3A_10 : i1 to i32
    %sign3A_12 = arith.subi %sign3A_8, %sign3A_11 : i32
    %ne3A = arith.cmpi ne, %sign3A_5, %sign3A_12 : i32
    %rem3A = arith.remsi %arg0, %jit3A : i32
    %ne3A_13 = arith.constant 0 : i32
    %ne3A_14 = arith.cmpi ne, %rem3A, %ne3A_13 : i32
    %and3A = arith.andi %ne3A, %ne3A_14 : i1
    %sub3A = arith.constant 1 : i32
    %sub3A_15 = arith.subi %div3A, %sub3A : i32
    %select_n3A = arith.select %and3A, %sub3A_15, %div3A : i32
    %jit3A_16 = arith.constant 2 : i32
    %eq3A = arith.constant 0 : i32
    %eq3A_17 = arith.cmpi eq, %jit3A_16, %eq3A : i32
    %jit3A_18 = arith.constant 1 : i32
    %select_n3A_19 = arith.select %eq3A_17, %jit3A_18, %jit3A_16 : i32
    %rem3A_20 = arith.remsi %arg0, %select_n3A_19 : i32
    %ne3A_21 = arith.constant 0 : i32
    %ne3A_22 = arith.cmpi ne, %rem3A_20, %ne3A_21 : i32
    %lt3A = arith.constant 0 : i32
    %lt3A_23 = arith.cmpi slt, %rem3A_20, %lt3A : i32
    %lt3A_24 = arith.constant 0 : i32
    %lt3A_25 = arith.cmpi slt, %select_n3A_19, %lt3A_24 : i32
    %ne3A_26 = arith.xori %lt3A_23, %lt3A_25 : i1
    %and3A_27 = arith.andi %ne3A_26, %ne3A_22 : i1
    %add3A = arith.addi %rem3A_20, %select_n3A_19 : i32
    %select_n3A_28 = arith.select %and3A_27, %add3A, %rem3A_20 : i32
    %c0_i32 = arith.constant 0 : i32
    %c0_i32_29 = arith.constant 0 : i32
    return %select_n3A, %select_n3A_28, %c0_i32 : i32, i32, i32
  }
  func.func @transform_2(%arg0: i32) -> (i32, i32) {
    %c0_i32 = arith.constant 0 : i32
    %c0_i32_0 = arith.constant 0 : i32
    %c0_i32_1 = arith.constant 0 : i32
    return %c0_i32, %c0_i32_0 : i32, i32
  }
}

</mosaic_0001>

<sc_bundles>
// kernel: kernel.4.cloned.1.call-start
scs
__scs_entry_jumppad:
0x0: {  	(pc) =	sbr.rel $0x88, $3  }
0x1: {  	(tag) =	ssettag $0x0;
	lr =	simm.s32 $0x1  }
0x2: {  	[smem:$0x3F9F] =	sst lr;
	_ =	strace $0xD0000000  }
0x3: {  	_ = 	snop  }
0x4: {  	_ = 	snop  }
0x5: {  	_ = 	snop  }
0x6: {  	_ = 	snop  }
0x7: {  	_ = 	snop  }
__scs_overlays_trampoline_lowered:
0x8: {  	[smem:$0x3FAE] =	sst s0  }
0x9: {  	[smem:$0x3FAF] =	sst s1  }
0xa: {  	[smem:$0x3FB0] =	sst s2  }
0xb: {  	[smem:$0x3FB1] =	sst s3  }
0xc: {  	[smem:$0x3FB2] =	sst s4  }
0xd: {  	[smem:$0x3FB3] =	sst s5  }
0xe: {  	[smem:$0x3FB4] =	sst s6  }
0xf: {  	[smem:$0x3FB5] =	sst s7  }
0x10: {  	[smem:$0x3FB6] =	sst s8  }
0x11: {  	[smem:$0x3FB7] =	sst s9;
	s0 =	simm.s32 @!p0 $0x0  }
0x12: {  	s1 =	sld [smem:$0x3F9D];
	s0 =	simm.s32 @p0 $0x1  }
0x13: {  	[smem:$0x3FB8] =	sst s0;
	s0 =	simm.s32 @!p1 $0x0  }
0x14: {  	s2 =	sld [smem:$0x3F9C];
	s0 =	simm.s32 @p1 $0x1  }
0x15: {  	[smem:$0x3FB9] =	sst s0;
	s0 =	simm.s32 @!p2 $0x0  }
0x16: {  	s3 =	sld [smem:$0x3FDB];
	s0 =	simm.s32 @p2 $0x1  }
0x17: {  	s4 =	simm.s32 $0x1BF5;
	[smem:$0x3FBB] =	sst s0  }
0x18: {  	s0 =	sld [smem:$0x3F9E];
	_ =	swait.ge [sflag:s4], $0x0  }
0x19: {  	s7 =	sld [smem:$0x3F9F]  }
0x1a: {  	s8 =	sadd.s32 $0xFFFFE003, lr  }
0x1b: {  	s9 =	sadd.s32 $0xFFFFFEF7, lr;
	s5 =	simm.s32 $0xFFFFFFFF;
	p2 =	slt.u32 s8, $0xFFFFF086  }
0x1c: {  	p1 =	slt.u32 s9, $0xF7A;
	s5 =	simm.s32 @!p2 $0x0  }
0x1d: {  	s5 =	simm.s32 @p1 $0x1;
	p0 =	seq.s32 s7, s2  }
0x1e: {  	s7 =	smul.u32 @!p0 $0xF7A, s2;
	p2 =	seq.s32 @!p0 s5, $0x0  }
0x1f: {  	s9 =	smul.u32 $0xF7A, s1;
	s8 =	simm.s32 @!p0 $0x1BF5;
	p2 =	por !p2, p0  }
0x20: {  	[sflag:s8] =	ssyncset.s32 @!p0 $0xFFFFF086;
	s6 =	sadd.s32 @!p0 s3, s7;
	s7 =	simm.s32 @!p0 $0x108  }
0x21: {  	s3 =	sadd.s32 s3, s9;
	s6 =	sadd.s32 @!p0 $0x88, s6;
	s7 =	simm.s32 @p2 $0x1082  }
0x22: {  	[simem:s7], [sflag:s8] =	dma.local @!p0 [hbm:s6], $0xF7A  }
0x23: {  	s9 =	sor.u32 $0xD0000000, s2;
	s6 =	simm.s32 $0x108;
	_ =	swait.ge @!p0 [sflag:s8], $0x0  }
0x24: {  	s3 =	sadd.s32 $0x88, s3;
	s6 =	simm.s32 @!p1 $0x1082;
	[sflag:s4] =	ssyncset.s32 $0xFFFFF086  }
0x25: {  	[simem:s6], [sflag:s4] =	dma.local [hbm:s3], $0xF7A  }
0x26: {  	[smem:$0x3F9F] =	sst s1;
	(tag) =	ssettag s2;
	_ =	strace s9  }
0x27: {  	s1 =	sld [smem:$0x3FAF]  }
0x28: {  	s2 =	sld [smem:$0x3FB0]  }
0x29: {  	s4 =	sld [smem:$0x3FB2]  }
0x2a: {  	p0 =	seq.s32 s5, $0x0;
	s5 =	sld [smem:$0x3FB3]  }
0x2b: {  	s6 =	sld [smem:$0x3FB4]  }
0x2c: {  	s7 =	sld [smem:$0x3FB5]  }
0x2d: {  	s3 =	simm.s32 $0x108;
	s8 =	sld [smem:$0x3FB6]  }
0x2e: {  	s3 =	simm.s32 @!p0 $0x1082;
	s9 =	sld [smem:$0x3FB7]  }
0x2f: {  	lr =	sadd.s32 s0, s3;
	s0 =	sld [smem:$0x3FAE]  }
0x30: {  	s3 =	sld [smem:$0x3FB1]  }
0x31: {  	[smem:$0x3FBA] =	sst s10  }
0x32: {  	s10 =	sld [smem:$0x3FB8];
	_ =	sdelay $0x3  }
0x33: {  	p0 =	seq.s32 s10, $0x1;
	s10 =	sld [smem:$0x3FBA];
	_ =	sdelay $0x3  }
0x34: {  	[smem:$0x3FBA] =	sst s10  }
0x35: {  	s10 =	sld [smem:$0x3FB9];
	_ =	sdelay $0x3  }
0x36: {  	p1 =	seq.s32 s10, $0x1;
	s10 =	sld [smem:$0x3FBA];
	_ =	sdelay $0x3  }
0x37: {  	[smem:$0x3FBA] =	sst s10  }
0x38: {  	s10 =	sld [smem:$0x3FBB]  }
0x39: {  	_ = 	snop;
	(pc) =	sbr.ind lr, $3  }
0x3a: {  	_ = 	snop  }
0x3b: {  	_ = 	snop  }
0x3c: {  	p2 =	seq.s32 s10, $0x1;
	s10 =	sld [smem:$0x3FBA]  }
0x3d: {  	_ =	shalt  }
0x3e: {  	_ =	shalt  }
0x3f: {  	_ =	shalt  }
0x40: {  	_ =	shalt  }
0x41: {  	_ =	shalt  }
0x42: {  	_ =	shalt  }
0x43: {  	_ =	shalt  }
0x44: {  	_ =	shalt  }
0x45: {  	_ =	shalt  }
0x46: {  	_ =	shalt  }
0x47: {  	_ =	shalt  }
0x48: {  	_ =	shalt  }
0x49: {  	_ =	shalt  }
0x4a: {  	_ =	shalt  }
0x4b: {  	_ =	shalt  }
0x4c: {  	_ =	shalt  }
0x4d: {  	_ =	shalt  }
0x4e: {  	_ =	shalt  }
0x4f: {  	_ =	shalt  }
0x50: {  	_ =	shalt  }
0x51: {  	_ =	shalt  }
0x52: {  	_ =	shalt  }
0x53: {  	_ =	shalt  }
0x54: {  	_ =	shalt  }
0x55: {  	_ =	shalt  }
0x56: {  	_ =	shalt  }
0x57: {  	_ =	shalt  }
0x58: {  	_ =	shalt  }
0x59: {  	_ =	shalt  }
0x5a: {  	_ =	shalt  }
0x5b: {  	_ =	shalt  }
0x5c: {  	_ =	shalt  }
0x5d: {  	_ =	shalt  }
0x5e: {  	_ =	shalt  }
0x5f: {  	_ =	shalt  }
0x60: {  	_ =	shalt  }
0x61: {  	_ =	shalt  }
0x62: {  	_ =	shalt  }
0x63: {  	_ =	shalt  }
0x64: {  	_ =	shalt  }
0x65: {  	_ =	shalt  }
0x66: {  	_ =	shalt  }
0x67: {  	_ =	shalt  }
0x68: {  	_ =	shalt  }
0x69: {  	_ =	shalt  }
0x6a: {  	_ =	shalt  }
0x6b: {  	_ =	shalt  }
0x6c: {  	_ =	shalt  }
0x6d: {  	_ =	shalt  }
0x6e: {  	_ =	shalt  }
0x6f: {  	_ =	shalt  }
0x70: {  	_ =	shalt  }
0x71: {  	_ =	shalt  }
0x72: {  	_ =	shalt  }
0x73: {  	_ =	shalt  }
0x74: {  	_ =	shalt  }
0x75: {  	_ =	shalt  }
0x76: {  	_ =	shalt  }
0x77: {  	_ =	shalt  }
0x78: {  	_ =	shalt  }
0x79: {  	_ =	shalt  }
0x7a: {  	_ =	shalt  }
0x7b: {  	_ =	shalt  }
0x7c: {  	_ =	shalt  }
0x7d: {  	_ =	shalt  }
0x7e: {  	_ =	shalt  }
0x7f: {  	_ =	shalt  }
0x80: {  	_ =	shalt  }
0x81: {  	_ =	shalt  }
0x82: {  	_ =	shalt  }
0x83: {  	_ =	shalt  }
0x84: {  	_ =	shalt  }
0x85: {  	_ =	shalt  }
0x86: {  	_ =	shalt  }
0x87: {  	_ =	shalt  }
.Lfunc_end0:
.L_simem_size_0:
called_computation_lowered:
.L_overlay_start_0:
0x88: {  	s2 =	sld [smem:$0x3FD9]  }
0x89: {  	s3 =	sld [smem:$0x3FFE];
	_ =	sdelay $0x1  }
0x8a: {  	s1 =	srdreg.scid  }
0x8b: {  	s0 =	sand.u32 $0x1, s1  }
0x8c: {  	s17 =	sshll.u32 s0, $0xA;
	s2 =	sadd.s32 s3, s2  }
0x8d: {  	s2 =	sadd.s32 s2, s17  }
0x8e: {  	[smem:$0x3FC6] =	sst s2  }
0x8f: {  	_ = 	snop  }
0x90: {  	s2 =	sld [smem:$0x3FC9];
	(tm) =	ssettm $0x1  }
0x91: {  	s18 =	sld [smem:$0x3FFB];
	_ =	sdelay $0x3  }
0x92: {  	_ =	strace s18  }
0x93: {  	s3 =	sld [smem:$0x3FFC];
	_ =	sdelay $0x3  }
0x94: {  	_ =	strace s3  }
0x95: {  	s3 =	sld [smem:$0x3FFD];
	_ =	sdelay $0x3  }
0x96: {  	_ =	strace s3  }
0x97: {  	_ =	strace $0x8FFFFFFF  }
0x98: {  	s19 =	sld [smem:$0x3FDB];
	_ =	sdelay $0x1  }
0x99: {  	s4 =	simm.s32 $_scs_section_size  }
0x9a: {  	s5 =	simm.s32 $_size__tile_overlayer_lowered;
	s6 =	simm.s32 $_tile_overlayer_lowered  }
0x9b: {  	s22 =	simm.s32 $0x1BFF;
	s21 =	sshll.u32 s6, $0x1;
	s3 =	sadd.s32 s4, s19  }
0x9c: {  	s7 =	simm.s32 $0x0;
	s20 =	sshll.u32 s5, $0x1;
	s5 =	sadd.s32 s21, s3  }
0x9d: {  	[timem:s7], [sflag:s22] =	dma.local [hbm:s5], s20  }
0x9e: {  	_ =	swait.ge [sflag:s22], s20  }
0x9f: {  	s4 =	ssub.s32 $0x0, s20;
	[sflag:s22] =	ssyncset.done $0x0  }
0xa0: {  	[sflag:s22] =	ssyncadd.s32 s4;
	_ =	sdelay $0x1  }
0xa1: {  	s23 =	simm.s32 $0x1B8B  }
0xa2: {  	_ =	swait.ge [sflag:s23], $0x1  }
0xa3: {  	[sflag:s23] =	ssyncset.done $0x0  }
0xa4: {  	s25 =	simm.s32 $0x1B8E;
	s24 =	sld [smem:$0x3FFE];
	[sflag:s23] =	ssyncadd.s32 $0xFFFFFFFF  }
0xa5: {  	s26 =	simm.s32 $execute0_lowered;
	[smem:$0x3FD2] =	sst s25  }
0xa6: {  	s5 =	sshll.u32 s26, $0x1;
	_ =	strace $0x80000046;
	[dreg:$0x1] =	wrdreg $0xFFFFFFFF  }
0xa7: {  	s28 =	simm.s32 $_size_execute0_lowered;
	s3 =	sadd.s32 s3, s5;
	[dreg:$0x0] =	wrdreg $0x0  }
0xa8: {  	s5 =	sshll.u32 s28, $0x1;
	[dreg:$0x2] =	wrdreg s3  }
0xa9: {  	[dreg:$0x3] =	wrdreg s5  }
0xaa: {  	[dreg:$0x4] =	wrdreg $0xC0  }
0xab: {  	_ =	task [dreg:s7], $0x5FFFF  }
0xac: {  	[dreg:$0x1] =	wrdreg $0xFFFFFFFF  }
0xad: {  	[dreg:$0x0] =	wrdreg $0x60  }
0xae: {  	[dreg:$0x2] =	wrdreg s2  }
0xaf: {  	[dreg:$0x3] =	wrdreg s24  }
0xb0: {  	[dreg:$0x4] =	wrdreg $0x9  }
0xb1: {  	_ =	task.clear_ibuf [dreg:s7], $0x5FFFF;
	_ =	strace $0x90000046  }
0xb2: {  	s29 =	simm.s32 $0x9;
	_ =	strace $0x80000048  }
0xb3: {  	_ =	swait.ge [sflag:s29], $0x1  }
0xb4: {  	[sflag:s29] =	ssyncadd.s32 $0xFFFFFFFF  }
0xb5: {  	_ =	strace $0x90000048  }
0xb6: {  	_ =	sfence  }
0xb7: {  	s30 =	sld [smem:$0x0];
	_ =	sdelay $0x2  }
0xb8: {  	s31 =	sshll.u32 s1, $0xD;
	s1 =	sshrl.u32 s1, $0x2  }
0xb9: {  	s3 =	sand.u32 $0x4000, s31;
	s1 =	sadd.s32 s1, s30  }
0xba: {  	s0 =	sor.u32 s3, s0;
	s1 =	sshll.u32 s1, $0x11  }
0xbb: {  	s0 =	sor.u32 s1, s0  }
0xbc: {  	s0 =	sadd.s32 $0x8F2B, s0  }
0xbd: {  	[sflag:s0] =	ssyncadd.remote.s32 $0x1  }
0xbe: {  	_ =	sfence.sel $0xFFFF  }
0xbf: {  	[dreg:$0x0] =	wrdreg $0xFFFFFFFF;
	(pc) =	sbr.abs _section_cstart, $3  }
0xc0: {  	[dreg:$0x1] =	wrdreg $0xFFFFFFFF  }
0xc1: {  	_ =	task.clear_ibuf [dreg:s7], $0x2FFFF;
	_ =	strace $0x9FFFFFFF  }
0xc2: {  	(tm) =	ssettm $0x7FFFFFFF  }
0xc3: {  	_ =	shalt  }
tec
execute0_lowered:
.L_overlay_start_1:
0x0: {  	(tag) =	ssettag $0x1  }
0x1: {  	s1 =	srdreg.scid;
	s0 =	stileid.u32  }
0x2: {  	s21 =	sand.u32 $0x1, s1;
	s29 =	sshll.u32 s0, $0x1  }
0x3: {  	s22 =	sor.u32 s21, s29  }
0x4: {  	s1 =	smul.u32 $0x36, s22;
	_ =	sdelay $0x1  }
0x5: {  	s1 =	sshrl.u32 s1, $0x9  }
0x6: {  	s2 =	smul.u32 $0x13, s1  }
0x7: {  	s12 =	rddreg [dreg:$0x0];
	s3 =	sshll.u32 s22, $0x1  }
0x8: {  	s23 =	rddreg [dreg:$0x1];
	s2 =	ssub.s32 s3, s2  }
0x9: {  	s13 =	sadd.s32 $0x1000, s12;
	s4 =	smul.u32 $0x4C0000, s1;
	s3 =	sand.u32 $0xFF, s2  }
0xa: {  	s14 =	sadd.s32 $0x2000, s12;
	s15 =	sadd.s32 $0x3000, s12;
	s3 =	sshll.u32 s3, $0x12  }
0xb: {  	s8 =	sshllo.u32 s22, $0x1;
	s2 =	simm.s32 $0x0;
	s3 =	sadd.s32 s3, s4  }
0xc: {  	s5 =	smul.u32 $0x1B, s8;
	[smem:$0x7FF] =	sst s2;
	s11 =	sshrl.u32 s3, $0x3  }
0xd: {  	s1 =	rddreg [dreg:$0x2];
	_ =	strace $0x80000047;
	s3 =	sadd.s32 s12, s11  }
0xe: {  	[tilespmem:s2], [sflag:$0x1] =	stream.linear.gather [hbm4b:s3+s2], $0x8000, $0x38;
	[tilespmem:$0x10080] =	vst v63  }
0xf: {  	s10 =	sshrl.u32 s5, $0x9;
	s5 =	simm.s32 $0x8000;
	s4 =	sadd.s32 s11, s13  }
0x10: {  	[tilespmem:s5], [sflag:$0x1] =	stream.linear.gather [hbm4b:s4+s2], $0x8000, $0x38;
	[tilespmem:$0x10080] =	vst v63  }
0x11: {  	s16 =	sadd.s32 $0x4000, s12;
	s9 =	smul.u32 $0x13, s10;
	s6 =	sadd.s32 s11, s14  }
0x12: {  	[tilespmem:s2], [sflag:$0x1] =	stream.linear.gather [hbm4b:s6+s2], $0x8000, $0x38;
	[tilespmem:$0x10080] =	vst v63  }
0x13: {  	s17 =	sadd.s32 $0x5000, s12;
	s18 =	ssub.s32 s8, s9;
	s7 =	sadd.s32 s11, s15  }
0x14: {  	[tilespmem:s5], [sflag:$0x1] =	stream.linear.gather [hbm4b:s7+s2], $0x8000, $0x38;
	[tilespmem:$0x10080] =	vst v63  }
0x15: {  	s19 =	sadd.s32 $0x6000, s12;
	s18 =	sand.u32 $0xFF, s18;
	s8 =	sadd.s32 s11, s16  }
0x16: {  	[tilespmem:s2], [sflag:$0x1] =	stream.linear.gather [hbm4b:s8+s2], $0x8000, $0x38;
	[tilespmem:$0x10080] =	vst v63  }
0x17: {  	s20 =	smul.u32 $0x4C0000, s10;
	s18 =	sshll.u32 s18, $0x12;
	s9 =	sadd.s32 s11, s17  }
0x18: {  	[tilespmem:s5], [sflag:$0x1] =	stream.linear.gather [hbm4b:s9+s2], $0x8000, $0x38;
	[tilespmem:$0x10080] =	vst v63  }
0x19: {  	s24 =	sadd.s32 $0x7000, s12;
	s18 =	sadd.s32 s18, s20;
	s10 =	sadd.s32 s11, s19  }
0x1a: {  	[tilespmem:s2], [sflag:$0x1] =	stream.linear.gather [hbm4b:s10+s2], $0x8000, $0x38;
	[tilespmem:$0x10080] =	vst v63  }
0x1b: {  	s11 =	sadd.s32 s11, s24;
	s20 =	sshrl.u32 s18, $0x3  }
0x1c: {  	[tilespmem:s5], [sflag:$0x1] =	stream.linear.gather [hbm4b:s11+s2], $0x8000, $0x38;
	[tilespmem:$0x10080] =	vst v63  }
0x1d: {  	s12 =	sadd.s32 s12, s20  }
0x1e: {  	[tilespmem:s2], [sflag:$0x1] =	stream.linear.gather [hbm4b:s12+s2], $0x8000, $0x38;
	[tilespmem:$0x10080] =	vst v63  }
0x1f: {  	s13 =	sadd.s32 s20, s13  }
0x20: {  	[tilespmem:s5], [sflag:$0x1] =	stream.linear.gather [hbm4b:s13+s2], $0x8000, $0x38;
	[tilespmem:$0x10080] =	vst v63  }
0x21: {  	s14 =	sadd.s32 s20, s14  }
0x22: {  	[tilespmem:s2], [sflag:$0x1] =	stream.linear.gather [hbm4b:s14+s2], $0x8000, $0x38;
	[tilespmem:$0x10080] =	vst v63  }
0x23: {  	s15 =	sadd.s32 s20, s15  }
0x24: {  	[tilespmem:s5], [sflag:$0x1] =	stream.linear.gather [hbm4b:s15+s2], $0x8000, $0x38;
	[tilespmem:$0x10080] =	vst v63  }
0x25: {  	s16 =	sadd.s32 s20, s16  }
0x26: {  	[tilespmem:s2], [sflag:$0x1] =	stream.linear.gather [hbm4b:s16+s2], $0x8000, $0x38;
	[tilespmem:$0x10080] =	vst v63  }
0x27: {  	s17 =	sadd.s32 s20, s17  }
0x28: {  	[tilespmem:s5], [sflag:$0x1] =	stream.linear.gather [hbm4b:s17+s2], $0x8000, $0x38;
	[tilespmem:$0x10080] =	vst v63  }
0x29: {  	s18 =	sadd.s32 s20, s19  }
0x2a: {  	[tilespmem:s2], [sflag:$0x1] =	stream.linear.gather [hbm4b:s18+s2], $0x8000, $0x38;
	[tilespmem:$0x10080] =	vst v63  }
0x2b: {  	s19 =	sadd.s32 s20, s24;
	s20 =	simm.s32 $0x1  }
0x2c: {  	[tilespmem:s5], [sflag:$0x1] =	stream.linear.gather [hbm4b:s19+s2], $0x8000, $0x38;
	[tilespmem:$0x10080] =	vst v63  }
0x2d: {  	_ =	swait.ge [sflag:s20], $0x8000  }
0x2e: {  	[sflag:s20] =	ssyncset.done $0x0  }
0x2f: {  	[sflag:s20] =	ssyncadd.s32 $0xFFFF8000  }
0x30: {  	_ =	swait.ge [sflag:s20], $0x8000  }
0x31: {  	[sflag:s20] =	ssyncset.done $0x0  }
0x32: {  	[sflag:s20] =	ssyncadd.s32 $0xFFFF8000  }
0x33: {  	_ =	swait.ge [sflag:s20], $0x8000  }
0x34: {  	[sflag:s20] =	ssyncset.done $0x0  }
0x35: {  	[sflag:s20] =	ssyncadd.s32 $0xFFFF8000  }
0x36: {  	_ =	swait.ge [sflag:s20], $0x8000  }
0x37: {  	[sflag:s20] =	ssyncset.done $0x0  }
0x38: {  	[sflag:s20] =	ssyncadd.s32 $0xFFFF8000  }
0x39: {  	_ =	swait.ge [sflag:s20], $0x8000  }
0x3a: {  	[sflag:s20] =	ssyncset.done $0x0  }
0x3b: {  	[sflag:s20] =	ssyncadd.s32 $0xFFFF8000  }
0x3c: {  	_ =	swait.ge [sflag:s20], $0x8000  }
0x3d: {  	[sflag:s20] =	ssyncset.done $0x0  }
0x3e: {  	[sflag:s20] =	ssyncadd.s32 $0xFFFF8000  }
0x3f: {  	_ =	swait.ge [sflag:s20], $0x8000  }
0x40: {  	[sflag:s20] =	ssyncset.done $0x0  }
0x41: {  	[sflag:s20] =	ssyncadd.s32 $0xFFFF8000  }
0x42: {  	_ =	swait.ge [sflag:s20], $0x8000  }
0x43: {  	[sflag:s20] =	ssyncset.done $0x0  }
0x44: {  	[sflag:s20] =	ssyncadd.s32 $0xFFFF8000  }
0x45: {  	_ =	swait.ge [sflag:s20], $0x8000  }
0x46: {  	[sflag:s20] =	ssyncset.done $0x0  }
0x47: {  	[sflag:s20] =	ssyncadd.s32 $0xFFFF8000  }
0x48: {  	_ =	swait.ge [sflag:s20], $0x8000  }
0x49: {  	[sflag:s20] =	ssyncset.done $0x0  }
0x4a: {  	[sflag:s20] =	ssyncadd.s32 $0xFFFF8000  }
0x4b: {  	_ =	swait.ge [sflag:s20], $0x8000  }
0x4c: {  	[sflag:s20] =	ssyncset.done $0x0  }
0x4d: {  	[sflag:s20] =	ssyncadd.s32 $0xFFFF8000  }
0x4e: {  	_ =	swait.ge [sflag:s20], $0x8000  }
0x4f: {  	[sflag:s20] =	ssyncset.done $0x0  }
0x50: {  	[sflag:s20] =	ssyncadd.s32 $0xFFFF8000  }
0x51: {  	_ =	swait.ge [sflag:s20], $0x8000  }
0x52: {  	[sflag:s20] =	ssyncset.done $0x0  }
0x53: {  	[sflag:s20] =	ssyncadd.s32 $0xFFFF8000  }
0x54: {  	_ =	swait.ge [sflag:s20], $0x8000  }
0x55: {  	[sflag:s20] =	ssyncset.done $0x0  }
0x56: {  	[sflag:s20] =	ssyncadd.s32 $0xFFFF8000  }
0x57: {  	s21 =	ssub.s32 $0x2, s21;
	_ =	swait.ge [sflag:s20], $0x8000  }
0x58: {  	s22 =	sshll.u32 s22, $0x4;
	s30 =	sshrl.u32 s21, $0x1;
	[sflag:s20] =	ssyncset.done $0x0  }
0x59: {  	s22 =	sadd.s32 s22, s23;
	s23 =	ssub.s32 s21, s30;
	[sflag:s20] =	ssyncadd.s32 $0xFFFF8000  }
0x5a: {  	s31 =	smax.u32 s23, $0x1;
	_ =	swait.ge [sflag:s20], $0x8000  }
0x5b: {  	p0 =	sne.s32 s31, $0x1;
	[sflag:s20] =	ssyncset.done $0x0  }
.Ltmp0:
0x5c: {  	v0 =	vimm.f32 $0.0e+00;
	[sflag:s20] =	ssyncadd.s32 $0xFFFF8000;
	(pc) =	sbr.rel @!p0 .LBB2_2-.Ltmp0, $4  }
0x5d: {  	s21 =	sadd.s32 $0x600, s22;
	s23 =	simm.s32 $0x10000;
	s22 =	simm.s32 $0x2;
	[tilespmem:$0x10000] =	vst v0  }
0x5e: {  	[hbm4b:s21+s2] =	stream.linear.scatter [tilespmem:s23], [sflag:$0x2], $0x80, $0x38;
	[tilespmem:$0x10080] =	vst v63  }
0x5f: {  	_ =	swait.ge [sflag:s22], $0x80  }
0x60: {  	s24 =	sadd.s32 $0xFFFFFFFF, s31;
	[sflag:s22] =	ssyncset.done $0x0  }
.LBB2_1:
0x61: {  	p0 =	sne.s32 s24, $0x1;
	s24 =	sadd.s32 $0xFFFFFFFF, s24;
	[sflag:s22] =	ssyncadd.s32 $0xFFFFFF80  }
0x62: {  	[tilespmem:s2], [sflag:$0x1] =	stream.linear.gather [hbm4b:s3+s2], $0x8000, $0x38;
	[tilespmem:$0x10080] =	vst v63  }
0x63: {  	_ = 	snop  }
0x64: {  	[tilespmem:s5], [sflag:$0x1] =	stream.linear.gather [hbm4b:s4+s2], $0x8000, $0x38;
	[tilespmem:$0x10080] =	vst v63  }
0x65: {  	_ = 	snop  }
0x66: {  	[tilespmem:s2], [sflag:$0x1] =	stream.linear.gather [hbm4b:s6+s2], $0x8000, $0x38;
	[tilespmem:$0x10080] =	vst v63  }
0x67: {  	_ = 	snop  }
0x68: {  	[tilespmem:s5], [sflag:$0x1] =	stream.linear.gather [hbm4b:s7+s2], $0x8000, $0x38;
	[tilespmem:$0x10080] =	vst v63  }
0x69: {  	_ = 	snop  }
0x6a: {  	[tilespmem:s2], [sflag:$0x1] =	stream.linear.gather [hbm4b:s8+s2], $0x8000, $0x38;
	[tilespmem:$0x10080] =	vst v63  }
0x6b: {  	_ = 	snop  }
0x6c: {  	[tilespmem:s5], [sflag:$0x1] =	stream.linear.gather [hbm4b:s9+s2], $0x8000, $0x38;
	[tilespmem:$0x10080] =	vst v63  }
0x6d: {  	_ = 	snop  }
0x6e: {  	[tilespmem:s2], [sflag:$0x1] =	stream.linear.gather [hbm4b:s10+s2], $0x8000, $0x38;
	[tilespmem:$0x10080] =	vst v63  }
0x6f: {  	_ = 	snop  }
0x70: {  	[tilespmem:s5], [sflag:$0x1] =	stream.linear.gather [hbm4b:s11+s2], $0x8000, $0x38;
	[tilespmem:$0x10080] =	vst v63  }
0x71: {  	_ = 	snop  }
0x72: {  	[tilespmem:s2], [sflag:$0x1] =	stream.linear.gather [hbm4b:s12+s2], $0x8000, $0x38;
	[tilespmem:$0x10080] =	vst v63  }
0x73: {  	_ = 	snop  }
0x74: {  	[tilespmem:s5], [sflag:$0x1] =	stream.linear.gather [hbm4b:s13+s2], $0x8000, $0x38;
	[tilespmem:$0x10080] =	vst v63  }
0x75: {  	_ = 	snop  }
0x76: {  	[tilespmem:s2], [sflag:$0x1] =	stream.linear.gather [hbm4b:s14+s2], $0x8000, $0x38;
	[tilespmem:$0x10080] =	vst v63  }
0x77: {  	_ = 	snop  }
0x78: {  	[tilespmem:s5], [sflag:$0x1] =	stream.linear.gather [hbm4b:s15+s2], $0x8000, $0x38;
	[tilespmem:$0x10080] =	vst v63  }
0x79: {  	_ = 	snop  }
0x7a: {  	[tilespmem:s2], [sflag:$0x1] =	stream.linear.gather [hbm4b:s16+s2], $0x8000, $0x38;
	[tilespmem:$0x10080] =	vst v63  }
0x7b: {  	_ = 	snop  }
0x7c: {  	[tilespmem:s5], [sflag:$0x1] =	stream.linear.gather [hbm4b:s17+s2], $0x8000, $0x38;
	[tilespmem:$0x10080] =	vst v63  }
0x7d: {  	_ = 	snop  }
0x7e: {  	[tilespmem:s2], [sflag:$0x1] =	stream.linear.gather [hbm4b:s18+s2], $0x8000, $0x38;
	[tilespmem:$0x10080] =	vst v63  }
0x7f: {  	_ = 	snop  }
0x80: {  	[tilespmem:s5], [sflag:$0x1] =	stream.linear.gather [hbm4b:s19+s2], $0x8000, $0x38;
	[tilespmem:$0x10080] =	vst v63  }
0x81: {  	_ =	swait.ge [sflag:s20], $0x8000  }
0x82: {  	[sflag:s20] =	ssyncset.done $0x0  }
0x83: {  	[sflag:s20] =	ssyncadd.s32 $0xFFFF8000  }
0x84: {  	_ =	swait.ge [sflag:s20], $0x8000  }
0x85: {  	[sflag:s20] =	ssyncset.done $0x0  }
0x86: {  	[sflag:s20] =	ssyncadd.s32 $0xFFFF8000  }
0x87: {  	_ =	swait.ge [sflag:s20], $0x8000  }
0x88: {  	[sflag:s20] =	ssyncset.done $0x0  }
0x89: {  	[sflag:s20] =	ssyncadd.s32 $0xFFFF8000  }
0x8a: {  	_ =	swait.ge [sflag:s20], $0x8000  }
0x8b: {  	[sflag:s20] =	ssyncset.done $0x0  }
0x8c: {  	[sflag:s20] =	ssyncadd.s32 $0xFFFF8000  }
0x8d: {  	_ =	swait.ge [sflag:s20], $0x8000  }
0x8e: {  	[sflag:s20] =	ssyncset.done $0x0  }
0x8f: {  	[sflag:s20] =	ssyncadd.s32 $0xFFFF8000  }
0x90: {  	_ =	swait.ge [sflag:s20], $0x8000  }
0x91: {  	[sflag:s20] =	ssyncset.done $0x0  }
0x92: {  	[sflag:s20] =	ssyncadd.s32 $0xFFFF8000  }
0x93: {  	_ =	swait.ge [sflag:s20], $0x8000  }
0x94: {  	[sflag:s20] =	ssyncset.done $0x0  }
0x95: {  	[sflag:s20] =	ssyncadd.s32 $0xFFFF8000  }
0x96: {  	_ =	swait.ge [sflag:s20], $0x8000  }
0x97: {  	[sflag:s20] =	ssyncset.done $0x0  }
0x98: {  	[sflag:s20] =	ssyncadd.s32 $0xFFFF8000  }
0x99: {  	_ =	swait.ge [sflag:s20], $0x8000  }
0x9a: {  	[sflag:s20] =	ssyncset.done $0x0  }
0x9b: {  	[sflag:s20] =	ssyncadd.s32 $0xFFFF8000  }
0x9c: {  	_ =	swait.ge [sflag:s20], $0x8000  }
0x9d: {  	[sflag:s20] =	ssyncset.done $0x0  }
0x9e: {  	[sflag:s20] =	ssyncadd.s32 $0xFFFF8000  }
0x9f: {  	_ =	swait.ge [sflag:s20], $0x8000  }
0xa0: {  	[sflag:s20] =	ssyncset.done $0x0  }
0xa1: {  	[sflag:s20] =	ssyncadd.s32 $0xFFFF8000  }
0xa2: {  	_ =	swait.ge [sflag:s20], $0x8000  }
0xa3: {  	[sflag:s20] =	ssyncset.done $0x0  }
0xa4: {  	[sflag:s20] =	ssyncadd.s32 $0xFFFF8000  }
0xa5: {  	_ =	swait.ge [sflag:s20], $0x8000  }
0xa6: {  	[sflag:s20] =	ssyncset.done $0x0  }
0xa7: {  	[sflag:s20] =	ssyncadd.s32 $0xFFFF8000  }
0xa8: {  	_ =	swait.ge [sflag:s20], $0x8000  }
0xa9: {  	[sflag:s20] =	ssyncset.done $0x0  }
0xaa: {  	[sflag:s20] =	ssyncadd.s32 $0xFFFF8000  }
0xab: {  	_ =	swait.ge [sflag:s20], $0x8000  }
0xac: {  	[sflag:s20] =	ssyncset.done $0x0  }
0xad: {  	[sflag:s20] =	ssyncadd.s32 $0xFFFF8000  }
0xae: {  	_ =	swait.ge [sflag:s20], $0x8000  }
0xaf: {  	[sflag:s20] =	ssyncset.done $0x0  }
.Ltmp1:
0xb0: {  	[sflag:s20] =	ssyncadd.s32 $0xFFFF8000;
	(pc) =	sbr.rel @p0 .LBB2_1-.Ltmp1, $4  }
0xb1: {  	[tilespmem:$0x10000] =	vst v0  }
0xb2: {  	[hbm4b:s21+s2] =	stream.linear.scatter [tilespmem:s23], [sflag:$0x2], $0x80, $0x38;
	[tilespmem:$0x10080] =	vst v63  }
0xb3: {  	_ =	swait.ge [sflag:s22], $0x80  }
0xb4: {  	[sflag:s22] =	ssyncset.done $0x0  }
.LBB2_2:
0xb5: {  	[sflag:s22] =	ssyncadd.s32 $0xFFFFFF80  }
0xb6: {  	_ =	sfence.sel $0x180000  }
0xb7: {  	[bflag:$0x0] =	sbarrier.arrive $0xFFFF  }
0xb8: {  	p0 =	sne.s32 s0, $0x0;
	_ =	strace $0x90000047  }
0xb9: {  	s0 =	sadd.s32 @!p0 $0x100000, s1;
	[bflag:$0x2] =	sbarrier.arrive $0xFFFF  }
0xba: {  	[sflag:s0] =	ssyncadd.tile.s32 @!p0 $0x1;
	_ =	shalt  }
.Lfunc_end2:
_tile_overlayer_lowered:
.L_overlay_start_2:
0xbb: {  	(tag) =	ssettag $0x2  }
0xbc: {  	s0 =	rddreg [dreg:$0x0];
	s2 =	stileid.u32  }
0xbd: {  	s1 =	rddreg [dreg:$0x1];
	p0 =	sne.s32 s2, $0x0  }
0xbe: {  	s3 =	rddreg [dreg:$0x2];
	[bflag:$0x3] =	sbarrier.arrive $0xFFFF;
	s2 =	simm.s32 @!p0 $0x1C02  }
0xbf: {  	[timem:s3], [sflag:s2] =	dma.local @!p0 [hbm:s0], s1  }
0xc0: {  	s0 =	simm.s32 @!p0 $0x2  }
0xc1: {  	_ =	swait.ge @!p0 [sflag:s0], s1  }
0xc2: {  	s1 =	ssub.s32 @!p0 $0x0, s1;
	[sflag:s0] =	ssyncset.done @!p0 $0x0  }
0xc3: {  	[sflag:s0] =	ssyncadd.s32 @!p0 s1  }
0xc4: {  	[bflag:$0x3] =	sbarrier.arrive $0xFFFF  }
0xc5: {  	_ =	shalt  }

</sc_bundles>
